<compile_context>
chip_gen: v7x
topology: tpu7x:2x2x1
jax: 0.10.2.dev20260603
libtpu: 0.0.44.dev20260713+nightly
codegen_flags: <defaults>
</compile_context>

<pallas_src>
import functools

import jax
import jax.numpy as jnp
from jax import lax
from jax.experimental import pallas as pl
from jax.experimental.pallas import tpu as pltpu
from jax.experimental.pallas import tpu_sc as plsc

_B = 16384
_V = 100000
_NC = 2
_NS = 16
_NW = _NC * _NS
_HALF = _B // 2
_EPS = 1e-8


def _gather_body(u0i, u1i, u2i, i0i, i1i, i2i,
                 U0t, U1t, U2t, I0t, I1t, I2t,
                 out, trow, idxv, outv, osem):
    wid = lax.axis_index("s") * _NC + lax.axis_index("c")
    sub = wid - 16

    def stage(tab, row, idx_hbm):
        ct = pltpu.async_copy(tab.at[row], trow, osem)
        ci = pltpu.async_copy(idx_hbm, idxv, osem)
        ct.wait()
        ci.wait()

    def gather_to(drow):
        for half in range(2):
            @pl.loop(0, _HALF // 16)
            def _(i):
                v = idxv[pl.ds(half * _HALF + i * 16, 16)]
                outv[pl.ds(i * 16, 16)] = plsc.load_gather(trow, [v])
            pltpu.sync_copy(outv, out.at[drow, pl.ds(half * _HALF, _HALF)])

    stage(U0t, wid, u0i)
    gather_to(wid)
    @pl.when(wid < 16)
    def _():
        stage(U1t, wid, u1i)
    @pl.when(wid >= 16)
    def _():
        stage(U2t, sub, u2i)
    gather_to(32 + wid)
    stage(I0t, wid, i0i)
    gather_to(64 + wid)
    @pl.when(wid < 16)
    def _():
        stage(I1t, wid, i1i)
    @pl.when(wid >= 16)
    def _():
        stage(I2t, sub, i2i)
    gather_to(96 + wid)


@functools.cache
def _make_gather():
    return functools.partial(
        pl.kernel,
        out_type=jax.ShapeDtypeStruct((128, _B), jnp.float32),
        mesh=plsc.VectorSubcoreMesh(core_axis_name="c", subcore_axis_name="s"),
        compiler_params=pltpu.CompilerParams(
            use_tc_tiling_on_sc=True, needs_layout_passes=False),
        scratch_types=[
            pltpu.VMEM((_V,), jnp.float32),
            pltpu.VMEM((_B,), jnp.int32),
            pltpu.VMEM((_HALF,), jnp.float32),
            pltpu.SemaphoreType.DMA,
        ],
    )(_gather_body)


def _mlp_body(xT, W1t, b1, W2t, b2, W3t, b3, Wot, bo, out):
    x = xT[...]
    a = x[33:64, :]
    s = jnp.sum(a * a, axis=0, keepdims=True)
    na = jnp.sqrt(s)
    d = jnp.maximum(na, _EPS)
    cos = s / (d * d)
    h = jnp.maximum(jnp.dot(W1t[...], x, preferred_element_type=jnp.float32) + b1[...], 0.0)
    h = jnp.maximum(jnp.dot(W2t[...], h, preferred_element_type=jnp.float32) + b2[...], 0.0)
    h = jnp.maximum(jnp.dot(W3t[...], h, preferred_element_type=jnp.float32) + b3[...], 0.0)
    hc = jnp.concatenate([h, cos], axis=0)
    out[...] = jnp.dot(Wot[...], hc, preferred_element_type=jnp.float32) + bo[...]


def _mlp_t(xT, W1t, b1, W2t, b2, W3t, b3, Wot, bo):
    blk = 8192
    grid = (_B // blk,)
    col = lambda h: pl.BlockSpec((h, blk), lambda i: (0, i))
    rep = lambda a, b: pl.BlockSpec((a, b), lambda i: (0, 0))
    return pl.pallas_call(
        _mlp_body,
        grid=grid,
        in_specs=[
            col(128),
            rep(64, 128), rep(64, 1), rep(32, 64), rep(32, 1),
            rep(16, 32), rep(16, 1), rep(1, 17), rep(1, 1),
        ],
        out_specs=pl.BlockSpec((1, blk), lambda i: (0, i)),
        out_shape=jax.ShapeDtypeStruct((1, _B), jnp.float32),
    )(xT, W1t, b1, W2t, b2, W3t, b3, Wot, bo)


def kernel(user_idx, item_idx, U0, U1, U2, I0, I1, I2,
           W1, b1, W2, b2, W3, b3, Wo, bo):
    ui = user_idx.astype(jnp.int32)
    ii = item_idx.astype(jnp.int32)
    xT = _make_gather()(
        ui[:, 0], ui[:, 1], ui[:, 2], ii[:, 0], ii[:, 1], ii[:, 2],
        U0.T, U1.T, U2.T, I0.T, I1.T, I2.T)
    outT = _mlp_t(xT, W1.T, b1.reshape(-1, 1), W2.T, b2.reshape(-1, 1),
                  W3.T, b3.reshape(-1, 1), Wo.T, bo.reshape(1, 1))
    return outT.reshape(_B, 1)

# --- scband reference (transcript-rebuilt; emitter-appended) ---
"""Pipeline reference for scband-fed-ldcf-6708738916448 (READ-ONLY COPY).

The authoritative reference and input builder live on the scoring server;
editing this copy changes nothing except your own understanding.
"""

import jax, jax.numpy as jnp
import numpy as np

B = 16384
V = 100000
UDIMS = [32, 16, 16]
IDIMS = [32, 16, 16]
LAYERS = [128, 64, 32, 16]

def setup_inputs(seed: int = 0):
    key = jax.random.key(seed)
    ks = jax.random.split(key, 24)
    inp = {}
    inp["user_idx"] = jax.random.randint(ks[0], (B, 3), 0, V)
    inp["item_idx"] = jax.random.randint(ks[1], (B, 3), 0, V)
    for i, d in enumerate(UDIMS):
        inp["U%d" % i] = 0.01 * jax.random.normal(ks[2 + i], (V, d), dtype=jnp.float32)
    for i, d in enumerate(IDIMS):
        inp["I%d" % i] = 0.01 * jax.random.normal(ks[5 + i], (V, d), dtype=jnp.float32)
    for i, (di, do) in enumerate(zip(LAYERS[:-1], LAYERS[1:])):
        inp["W%d" % (i + 1)] = jax.random.normal(ks[8 + 2 * i], (di, do), dtype=jnp.float32) / np.sqrt(di)
        inp["b%d" % (i + 1)] = jnp.zeros((do,), dtype=jnp.float32)
    inp["Wo"] = jax.random.normal(ks[20], (LAYERS[-1] + 1, 1), dtype=jnp.float32) / np.sqrt(LAYERS[-1] + 1)
    inp["bo"] = jnp.zeros((1,), dtype=jnp.float32)
    return inp

def _cos(a, b, eps=1e-8):
    na = jnp.sqrt(jnp.sum(a * a, axis=1))
    nb = jnp.sqrt(jnp.sum(b * b, axis=1))
    return jnp.sum(a * b, axis=1) / (jnp.maximum(na, eps) * jnp.maximum(nb, eps))

def _forward(user_idx, item_idx, U0, U1, U2, I0, I1, I2, W1, b1, W2, b2, W3, b3, Wo, bo):
    ue = jnp.concatenate([U0[user_idx[:, 0]], U1[user_idx[:, 1]], U2[user_idx[:, 2]]], axis=1)
    ie = jnp.concatenate([I0[item_idx[:, 0]], I1[item_idx[:, 1]], I2[item_idx[:, 2]]], axis=1)
    x = jnp.concatenate([ue, ie], axis=1)
    # faithful to original: both lc latents sliced from the USER embedding,
    # starting at id_dims + 1 (off-by-one kept intentionally)
    user_lc = ue[:, UDIMS[0] + 1:]
    item_lc = ue[:, IDIMS[0] + 1:]
    cos = _cos(user_lc, item_lc).reshape((-1, 1))
    for W, bb in ((W1, b1), (W2, b2), (W3, b3)):
        x = jax.nn.relu(x @ W + bb)
    x = jnp.concatenate([x, cos], axis=1)
    return x @ Wo + bo

def reference(user_idx, item_idx, U0, U1, U2, I0, I1, I2, W1, b1, W2, b2, W3, b3, Wo, bo):
    return _forward(user_idx, item_idx, U0, U1, U2, I0, I1, I2, W1, b1, W2, b2, W3, b3, Wo, bo)

if __name__ == "__main__":
    import jax
    _d = setup_inputs()
    print(jax.jit(kernel)(*tuple(_d.values())))

</pallas_src>

<mosaic_0001>
#map = affine_map<(d0, d1) -> (0)>
#map1 = affine_map<(d0, d1) -> (0, 0)>
module attributes {stable_mosaic.version = 14 : i64} {
  func.func @_gather_body(%arg0: i32, %arg1: i32, %arg2: memref<16384xi32, #tpu.memory_space<hbm>>, %arg3: memref<16384xi32, #tpu.memory_space<hbm>>, %arg4: memref<16384xi32, #tpu.memory_space<hbm>>, %arg5: memref<16384xi32, #tpu.memory_space<hbm>>, %arg6: memref<16384xi32, #tpu.memory_space<hbm>>, %arg7: memref<16384xi32, #tpu.memory_space<hbm>>, %arg8: memref<32x100000xf32, #tpu.memory_space<hbm>>, %arg9: memref<16x100000xf32, #tpu.memory_space<hbm>>, %arg10: memref<16x100000xf32, #tpu.memory_space<hbm>>, %arg11: memref<32x100000xf32, #tpu.memory_space<hbm>>, %arg12: memref<16x100000xf32, #tpu.memory_space<hbm>>, %arg13: memref<16x100000xf32, #tpu.memory_space<hbm>>, %arg14: memref<128x16384xf32, #tpu.memory_space<hbm>>, %arg15: memref<100000xf32, #tpu.memory_space<vmem>>, %arg16: memref<16384xi32, #tpu.memory_space<vmem>>, %arg17: memref<8192xf32, #tpu.memory_space<vmem>>, %arg18: memref<!tpu.dma_semaphore, #tpu.memory_space<semaphore_mem>>) attributes {dimension_semantics = [#tpu.dimension_semantics<core_parallel>, #tpu.dimension_semantics<subcore_parallel>], iteration_bounds = array<i64: 2, 16>, scalar_prefetch = 0 : i64, scratch_operands = 4 : i64, tpu.core_type = #tpu.core_type<sc_vector_subcore>, window_params = [{transform_indices = #map}, {transform_indices = #map}, {transform_indices = #map}, {transform_indices = #map}, {transform_indices = #map}, {transform_indices = #map}, {transform_indices = #map1}, {transform_indices = #map1}, {transform_indices = #map1}, {transform_indices = #map1}, {transform_indices = #map1}, {transform_indices = #map1}, {transform_indices = #map1}]} {
    %mul3A = arith.constant 2 : i32
    %mul3A_0 = arith.muli %arg1, %mul3A : i32
    %add3A = arith.addi %mul3A_0, %arg0 : i32
    %sub3A = arith.constant 16 : i32
    %sub3A_1 = arith.subi %add3A, %sub3A : i32
    %dma_start3A = arith.constant 0 : i32
    %dma_start3A_2 = tpu.memref_slice %arg8[%add3A, %dma_start3A] : memref<32x100000xf32, #tpu.memory_space<hbm>> -> memref<1x100000xf32, #tpu.memory_space<hbm>>
    %dma_start3A_3 = tpu.memref_squeeze %dma_start3A_2 : memref<1x100000xf32, #tpu.memory_space<hbm>> -> memref<100000xf32, #tpu.memory_space<hbm>>
    %dma_start3A_4 = arith.constant 0 : i32
    %dma_start3A_5 = tpu.memref_slice %arg8[%add3A, %dma_start3A_4] : memref<32x100000xf32, #tpu.memory_space<hbm>> -> memref<1x100000xf32, #tpu.memory_space<hbm>>
    %dma_start3A_6 = tpu.memref_squeeze %dma_start3A_5 : memref<1x100000xf32, #tpu.memory_space<hbm>> -> memref<100000xf32, #tpu.memory_space<hbm>>
    tpu.enqueue_dma source(%dma_start3A_6 : memref<100000xf32, #tpu.memory_space<hbm>>) target(%arg15 : memref<100000xf32, #tpu.memory_space<vmem>>) target_semaphore(%arg18 : memref<!tpu.dma_semaphore, #tpu.memory_space<semaphore_mem>>)
    tpu.enqueue_dma source(%arg2 : memref<16384xi32, #tpu.memory_space<hbm>>) target(%arg16 : memref<16384xi32, #tpu.memory_space<vmem>>) target_semaphore(%arg18 : memref<!tpu.dma_semaphore, #tpu.memory_space<semaphore_mem>>)
    %dma_wait3A = arith.constant 0 : i32
    %dma_wait3A_7 = tpu.memref_slice %arg8[%add3A, %dma_wait3A] : memref<32x100000xf32, #tpu.memory_space<hbm>> -> memref<1x100000xf32, #tpu.memory_space<hbm>>
    %dma_wait3A_8 = tpu.memref_squeeze %dma_wait3A_7 : memref<1x100000xf32, #tpu.memory_space<hbm>> -> memref<100000xf32, #tpu.memory_space<hbm>>
    %dma_wait3A_9 = arith.constant 0 : i32
    %dma_wait3A_10 = tpu.memref_slice %arg8[%add3A, %dma_wait3A_9] : memref<32x100000xf32, #tpu.memory_space<hbm>> -> memref<1x100000xf32, #tpu.memory_space<hbm>>
    %dma_wait3A_11 = tpu.memref_squeeze %dma_wait3A_10 : memref<1x100000xf32, #tpu.memory_space<hbm>> -> memref<100000xf32, #tpu.memory_space<hbm>>
    tpu.wait_dma2 semaphore(%arg18 : memref<!tpu.dma_semaphore, #tpu.memory_space<semaphore_mem>>) src(%dma_wait3A_11 : memref<100000xf32, #tpu.memory_space<hbm>>) dst(%arg15 : memref<100000xf32, #tpu.memory_space<vmem>>)
    tpu.wait_dma2 semaphore(%arg18 : memref<!tpu.dma_semaphore, #tpu.memory_space<semaphore_mem>>) src(%arg2 : memref<16384xi32, #tpu.memory_space<hbm>>) dst(%arg16 : memref<16384xi32, #tpu.memory_space<vmem>>)
    %scan3A = arith.constant 0 : i32
    %scan3A_12 = arith.constant 512 : i32
    %scan3A_13 = arith.addi %scan3A, %scan3A_12 : i32
    %scan3A_14 = arith.constant 1 : i32
    scf.for %scan3A_85 = %scan3A to %scan3A_13 step %scan3A_14  : i32 {
      %mul3A_86 = arith.constant 1 : i32
      %mul3A_87 = arith.muli %scan3A_85, %mul3A_86 : i32
      %add3A_88 = arith.constant 0 : i32
      %add3A_89 = arith.addi %add3A_88, %mul3A_87 : i32
      %mul3A_90 = arith.constant 16 : i32
      %mul3A_91 = arith.muli %add3A_89, %mul3A_90 : i32
      %add3A_92 = arith.constant 0 : i32
      %add3A_93 = arith.addi %add3A_92, %mul3A_91 : i32
      %get3A = arith.index_cast %add3A_93 : i32 to index
      %get3A_94 = tpu.vector_load %arg16[%get3A] {strides = array<i32>} : memref<16384xi32, #tpu.memory_space<vmem>>, vector<16xi32>,
      %gather3A = tpu.vector_load_idx %arg15[%get3A_94] : memref<100000xf32, #tpu.memory_space<vmem>>[vector<16xi32>], vector<16xf32>,
      %mul3A_95 = arith.constant 16 : i32
      %mul3A_96 = arith.muli %add3A_89, %mul3A_95 : i32
      %swap3A = arith.index_cast %mul3A_96 : i32 to index
      %swap3A_97 = tpu.vector_load %arg17[%swap3A] {strides = array<i32>} : memref<8192xf32, #tpu.memory_space<vmem>>, vector<16xf32>,
      tpu.vector_store %arg17[%swap3A], %gather3A {strides = array<i32>} : memref<8192xf32, #tpu.memory_space<vmem>>, vector<16xf32>,
    }
    %scan3A_15 = arith.constant 512 : i32
    "tpu.region"() ({
      %run_scoped3A = tpu.sem_alloc : memref<!tpu.dma_semaphore, #tpu.memory_space<semaphore_mem>>
      %dma_start3A_85 = arith.constant 0 : i32
      %dma_start3A_86 = tpu.memref_slice %arg14[%add3A, %dma_start3A_85] : memref<128x16384xf32, #tpu.memory_space<hbm>> -> memref<1x8192xf32, #tpu.memory_space<hbm>>
      %dma_start3A_87 = tpu.memref_squeeze %dma_start3A_86 : memref<1x8192xf32, #tpu.memory_space<hbm>> -> memref<8192xf32, #tpu.memory_space<hbm>>
      %dma_start3A_88 = arith.constant 0 : i32
      %dma_start3A_89 = tpu.memref_slice %arg14[%add3A, %dma_start3A_88] : memref<128x16384xf32, #tpu.memory_space<hbm>> -> memref<1x8192xf32, #tpu.memory_space<hbm>>
      %dma_start3A_90 = tpu.memref_squeeze %dma_start3A_89 : memref<1x8192xf32, #tpu.memory_space<hbm>> -> memref<8192xf32, #tpu.memory_space<hbm>>
      tpu.enqueue_dma source(%arg17 : memref<8192xf32, #tpu.memory_space<vmem>>) target(%dma_start3A_90 : memref<8192xf32, #tpu.memory_space<hbm>>) target_semaphore(%run_scoped3A : memref<!tpu.dma_semaphore, #tpu.memory_space<semaphore_mem>>)
      %dma_wait3A_91 = arith.constant 0 : i32
      %dma_wait3A_92 = tpu.memref_slice %arg14[%add3A, %dma_wait3A_91] : memref<128x16384xf32, #tpu.memory_space<hbm>> -> memref<1x8192xf32, #tpu.memory_space<hbm>>
      %dma_wait3A_93 = tpu.memref_squeeze %dma_wait3A_92 : memref<1x8192xf32, #tpu.memory_space<hbm>> -> memref<8192xf32, #tpu.memory_space<hbm>>
      %dma_wait3A_94 = arith.constant 0 : i32
      %dma_wait3A_95 = tpu.memref_slice %arg14[%add3A, %dma_wait3A_94] : memref<128x16384xf32, #tpu.memory_space<hbm>> -> memref<1x8192xf32, #tpu.memory_space<hbm>>
      %dma_wait3A_96 = tpu.memref_squeeze %dma_wait3A_95 : memref<1x8192xf32, #tpu.memory_space<hbm>> -> memref<8192xf32, #tpu.memory_space<hbm>>
      tpu.wait_dma2 semaphore(%run_scoped3A : memref<!tpu.dma_semaphore, #tpu.memory_space<semaphore_mem>>) src(%arg17 : memref<8192xf32, #tpu.memory_space<vmem>>) dst(%dma_wait3A_96 : memref<8192xf32, #tpu.memory_space<hbm>>)
      tpu.yield
    }) : () -> ()
    %scan3A_16 = arith.constant 0 : i32
    %scan3A_17 = arith.constant 512 : i32
    %scan3A_18 = arith.addi %scan3A_16, %scan3A_17 : i32
    %scan3A_19 = arith.constant 1 : i32
    scf.for %scan3A_85 = %scan3A_16 to %scan3A_18 step %scan3A_19  : i32 {
      %mul3A_86 = arith.constant 1 : i32
      %mul3A_87 = arith.muli %scan3A_85, %mul3A_86 : i32
      %add3A_88 = arith.constant 0 : i32
      %add3A_89 = arith.addi %add3A_88, %mul3A_87 : i32
      %mul3A_90 = arith.constant 16 : i32
      %mul3A_91 = arith.muli %add3A_89, %mul3A_90 : i32
      %add3A_92 = arith.constant 8192 : i32
      %add3A_93 = arith.addi %add3A_92, %mul3A_91 : i32
      %get3A = arith.index_cast %add3A_93 : i32 to index
      %get3A_94 = tpu.vector_load %arg16[%get3A] {strides = array<i32>} : memref<16384xi32, #tpu.memory_space<vmem>>, vector<16xi32>,
      %gather3A = tpu.vector_load_idx %arg15[%get3A_94] : memref<100000xf32, #tpu.memory_space<vmem>>[vector<16xi32>], vector<16xf32>,
      %mul3A_95 = arith.constant 16 : i32
      %mul3A_96 = arith.muli %add3A_89, %mul3A_95 : i32
      %swap3A = arith.index_cast %mul3A_96 : i32 to index
      %swap3A_97 = tpu.vector_load %arg17[%swap3A] {strides = array<i32>} : memref<8192xf32, #tpu.memory_space<vmem>>, vector<16xf32>,
      tpu.vector_store %arg17[%swap3A], %gather3A {strides = array<i32>} : memref<8192xf32, #tpu.memory_space<vmem>>, vector<16xf32>,
    }
    %scan3A_20 = arith.constant 512 : i32
    "tpu.region"() ({
      %run_scoped3A = tpu.sem_alloc : memref<!tpu.dma_semaphore, #tpu.memory_space<semaphore_mem>>
      %dma_start3A_85 = arith.constant 8192 : i32
      %dma_start3A_86 = tpu.memref_slice %arg14[%add3A, %dma_start3A_85] : memref<128x16384xf32, #tpu.memory_space<hbm>> -> memref<1x8192xf32, #tpu.memory_space<hbm>>
      %dma_start3A_87 = tpu.memref_squeeze %dma_start3A_86 : memref<1x8192xf32, #tpu.memory_space<hbm>> -> memref<8192xf32, #tpu.memory_space<hbm>>
      %dma_start3A_88 = arith.constant 8192 : i32
      %dma_start3A_89 = tpu.memref_slice %arg14[%add3A, %dma_start3A_88] : memref<128x16384xf32, #tpu.memory_space<hbm>> -> memref<1x8192xf32, #tpu.memory_space<hbm>>
      %dma_start3A_90 = tpu.memref_squeeze %dma_start3A_89 : memref<1x8192xf32, #tpu.memory_space<hbm>> -> memref<8192xf32, #tpu.memory_space<hbm>>
      tpu.enqueue_dma source(%arg17 : memref<8192xf32, #tpu.memory_space<vmem>>) target(%dma_start3A_90 : memref<8192xf32, #tpu.memory_space<hbm>>) target_semaphore(%run_scoped3A : memref<!tpu.dma_semaphore, #tpu.memory_space<semaphore_mem>>)
      %dma_wait3A_91 = arith.constant 8192 : i32
      %dma_wait3A_92 = tpu.memref_slice %arg14[%add3A, %dma_wait3A_91] : memref<128x16384xf32, #tpu.memory_space<hbm>> -> memref<1x8192xf32, #tpu.memory_space<hbm>>
      %dma_wait3A_93 = tpu.memref_squeeze %dma_wait3A_92 : memref<1x8192xf32, #tpu.memory_space<hbm>> -> memref<8192xf32, #tpu.memory_space<hbm>>
      %dma_wait3A_94 = arith.constant 8192 : i32
      %dma_wait3A_95 = tpu.memref_slice %arg14[%add3A, %dma_wait3A_94] : memref<128x16384xf32, #tpu.memory_space<hbm>> -> memref<1x8192xf32, #tpu.memory_space<hbm>>
      %dma_wait3A_96 = tpu.memref_squeeze %dma_wait3A_95 : memref<1x8192xf32, #tpu.memory_space<hbm>> -> memref<8192xf32, #tpu.memory_space<hbm>>
      tpu.wait_dma2 semaphore(%run_scoped3A : memref<!tpu.dma_semaphore, #tpu.memory_space<semaphore_mem>>) src(%arg17 : memref<8192xf32, #tpu.memory_space<vmem>>) dst(%dma_wait3A_96 : memref<8192xf32, #tpu.memory_space<hbm>>)
      tpu.yield
    }) : () -> ()
    %lt3A = arith.constant 16 : i32
    %lt3A_21 = arith.cmpi slt, %add3A, %lt3A : i32
    %convert_element_type3A = arith.extui %lt3A_21 : i1 to i32
    %cond3A = arith.constant 0 : i32
    %cond3A_22 = arith.cmpi ne, %convert_element_type3A, %cond3A : i32
    scf.if %cond3A_22 {
      %dma_start3A_85 = arith.constant 0 : i32
      %dma_start3A_86 = tpu.memref_slice %arg9[%add3A, %dma_start3A_85] : memref<16x100000xf32, #tpu.memory_space<hbm>> -> memref<1x100000xf32, #tpu.memory_space<hbm>>
      %dma_start3A_87 = tpu.memref_squeeze %dma_start3A_86 : memref<1x100000xf32, #tpu.memory_space<hbm>> -> memref<100000xf32, #tpu.memory_space<hbm>>
      %dma_start3A_88 = arith.constant 0 : i32
      %dma_start3A_89 = tpu.memref_slice %arg9[%add3A, %dma_start3A_88] : memref<16x100000xf32, #tpu.memory_space<hbm>> -> memref<1x100000xf32, #tpu.memory_space<hbm>>
      %dma_start3A_90 = tpu.memref_squeeze %dma_start3A_89 : memref<1x100000xf32, #tpu.memory_space<hbm>> -> memref<100000xf32, #tpu.memory_space<hbm>>
      tpu.enqueue_dma source(%dma_start3A_90 : memref<100000xf32, #tpu.memory_space<hbm>>) target(%arg15 : memref<100000xf32, #tpu.memory_space<vmem>>) target_semaphore(%arg18 : memref<!tpu.dma_semaphore, #tpu.memory_space<semaphore_mem>>)
      tpu.enqueue_dma source(%arg3 : memref<16384xi32, #tpu.memory_space<hbm>>) target(%arg16 : memref<16384xi32, #tpu.memory_space<vmem>>) target_semaphore(%arg18 : memref<!tpu.dma_semaphore, #tpu.memory_space<semaphore_mem>>)
      %dma_wait3A_91 = arith.constant 0 : i32
      %dma_wait3A_92 = tpu.memref_slice %arg9[%add3A, %dma_wait3A_91] : memref<16x100000xf32, #tpu.memory_space<hbm>> -> memref<1x100000xf32, #tpu.memory_space<hbm>>
      %dma_wait3A_93 = tpu.memref_squeeze %dma_wait3A_92 : memref<1x100000xf32, #tpu.memory_space<hbm>> -> memref<100000xf32, #tpu.memory_space<hbm>>
      %dma_wait3A_94 = arith.constant 0 : i32
      %dma_wait3A_95 = tpu.memref_slice %arg9[%add3A, %dma_wait3A_94] : memref<16x100000xf32, #tpu.memory_space<hbm>> -> memref<1x100000xf32, #tpu.memory_space<hbm>>
      %dma_wait3A_96 = tpu.memref_squeeze %dma_wait3A_95 : memref<1x100000xf32, #tpu.memory_space<hbm>> -> memref<100000xf32, #tpu.memory_space<hbm>>
      tpu.wait_dma2 semaphore(%arg18 : memref<!tpu.dma_semaphore, #tpu.memory_space<semaphore_mem>>) src(%dma_wait3A_96 : memref<100000xf32, #tpu.memory_space<hbm>>) dst(%arg15 : memref<100000xf32, #tpu.memory_space<vmem>>)
      tpu.wait_dma2 semaphore(%arg18 : memref<!tpu.dma_semaphore, #tpu.memory_space<semaphore_mem>>) src(%arg3 : memref<16384xi32, #tpu.memory_space<hbm>>) dst(%arg16 : memref<16384xi32, #tpu.memory_space<vmem>>)
    } else {
    }
    %ge3A = arith.constant 16 : i32
    %ge3A_23 = arith.cmpi sge, %add3A, %ge3A : i32
    %convert_element_type3A_24 = arith.extui %ge3A_23 : i1 to i32
    %cond3A_25 = arith.constant 0 : i32
    %cond3A_26 = arith.cmpi ne, %convert_element_type3A_24, %cond3A_25 : i32
    scf.if %cond3A_26 {
      %dma_start3A_85 = arith.constant 0 : i32
      %dma_start3A_86 = tpu.memref_slice %arg10[%sub3A_1, %dma_start3A_85] : memref<16x100000xf32, #tpu.memory_space<hbm>> -> memref<1x100000xf32, #tpu.memory_space<hbm>>
      %dma_start3A_87 = tpu.memref_squeeze %dma_start3A_86 : memref<1x100000xf32, #tpu.memory_space<hbm>> -> memref<100000xf32, #tpu.memory_space<hbm>>
      %dma_start3A_88 = arith.constant 0 : i32
      %dma_start3A_89 = tpu.memref_slice %arg10[%sub3A_1, %dma_start3A_88] : memref<16x100000xf32, #tpu.memory_space<hbm>> -> memref<1x100000xf32, #tpu.memory_space<hbm>>
      %dma_start3A_90 = tpu.memref_squeeze %dma_start3A_89 : memref<1x100000xf32, #tpu.memory_space<hbm>> -> memref<100000xf32, #tpu.memory_space<hbm>>
      tpu.enqueue_dma source(%dma_start3A_90 : memref<100000xf32, #tpu.memory_space<hbm>>) target(%arg15 : memref<100000xf32, #tpu.memory_space<vmem>>) target_semaphore(%arg18 : memref<!tpu.dma_semaphore, #tpu.memory_space<semaphore_mem>>)
      tpu.enqueue_dma source(%arg4 : memref<16384xi32, #tpu.memory_space<hbm>>) target(%arg16 : memref<16384xi32, #tpu.memory_space<vmem>>) target_semaphore(%arg18 : memref<!tpu.dma_semaphore, #tpu.memory_space<semaphore_mem>>)
      %dma_wait3A_91 = arith.constant 0 : i32
      %dma_wait3A_92 = tpu.memref_slice %arg10[%sub3A_1, %dma_wait3A_91] : memref<16x100000xf32, #tpu.memory_space<hbm>> -> memref<1x100000xf32, #tpu.memory_space<hbm>>
      %dma_wait3A_93 = tpu.memref_squeeze %dma_wait3A_92 : memref<1x100000xf32, #tpu.memory_space<hbm>> -> memref<100000xf32, #tpu.memory_space<hbm>>
      %dma_wait3A_94 = arith.constant 0 : i32
      %dma_wait3A_95 = tpu.memref_slice %arg10[%sub3A_1, %dma_wait3A_94] : memref<16x100000xf32, #tpu.memory_space<hbm>> -> memref<1x100000xf32, #tpu.memory_space<hbm>>
      %dma_wait3A_96 = tpu.memref_squeeze %dma_wait3A_95 : memref<1x100000xf32, #tpu.memory_space<hbm>> -> memref<100000xf32, #tpu.memory_space<hbm>>
      tpu.wait_dma2 semaphore(%arg18 : memref<!tpu.dma_semaphore, #tpu.memory_space<semaphore_mem>>) src(%dma_wait3A_96 : memref<100000xf32, #tpu.memory_space<hbm>>) dst(%arg15 : memref<100000xf32, #tpu.memory_space<vmem>>)
      tpu.wait_dma2 semaphore(%arg18 : memref<!tpu.dma_semaphore, #tpu.memory_space<semaphore_mem>>) src(%arg4 : memref<16384xi32, #tpu.memory_space<hbm>>) dst(%arg16 : memref<16384xi32, #tpu.memory_space<vmem>>)
    } else {
    }
    %add3A_27 = arith.constant 32 : i32
    %add3A_28 = arith.addi %add3A_27, %add3A : i32
    %scan3A_29 = arith.constant 0 : i32
    %scan3A_30 = arith.constant 512 : i32
    %scan3A_31 = arith.addi %scan3A_29, %scan3A_30 : i32
    %scan3A_32 = arith.constant 1 : i32
    scf.for %scan3A_85 = %scan3A_29 to %scan3A_31 step %scan3A_32  : i32 {
      %mul3A_86 = arith.constant 1 : i32
      %mul3A_87 = arith.muli %scan3A_85, %mul3A_86 : i32
      %add3A_88 = arith.constant 0 : i32
      %add3A_89 = arith.addi %add3A_88, %mul3A_87 : i32
      %mul3A_90 = arith.constant 16 : i32
      %mul3A_91 = arith.muli %add3A_89, %mul3A_90 : i32
      %add3A_92 = arith.constant 0 : i32
      %add3A_93 = arith.addi %add3A_92, %mul3A_91 : i32
      %get3A = arith.index_cast %add3A_93 : i32 to index
      %get3A_94 = tpu.vector_load %arg16[%get3A] {strides = array<i32>} : memref<16384xi32, #tpu.memory_space<vmem>>, vector<16xi32>,
      %gather3A = tpu.vector_load_idx %arg15[%get3A_94] : memref<100000xf32, #tpu.memory_space<vmem>>[vector<16xi32>], vector<16xf32>,
      %mul3A_95 = arith.constant 16 : i32
      %mul3A_96 = arith.muli %add3A_89, %mul3A_95 : i32
      %swap3A = arith.index_cast %mul3A_96 : i32 to index
      %swap3A_97 = tpu.vector_load %arg17[%swap3A] {strides = array<i32>} : memref<8192xf32, #tpu.memory_space<vmem>>, vector<16xf32>,
      tpu.vector_store %arg17[%swap3A], %gather3A {strides = array<i32>} : memref<8192xf32, #tpu.memory_space<vmem>>, vector<16xf32>,
    }
    %scan3A_33 = arith.constant 512 : i32
    "tpu.region"() ({
      %run_scoped3A = tpu.sem_alloc : memref<!tpu.dma_semaphore, #tpu.memory_space<semaphore_mem>>
      %dma_start3A_85 = arith.constant 0 : i32
      %dma_start3A_86 = tpu.memref_slice %arg14[%add3A_28, %dma_start3A_85] : memref<128x16384xf32, #tpu.memory_space<hbm>> -> memref<1x8192xf32, #tpu.memory_space<hbm>>
      %dma_start3A_87 = tpu.memref_squeeze %dma_start3A_86 : memref<1x8192xf32, #tpu.memory_space<hbm>> -> memref<8192xf32, #tpu.memory_space<hbm>>
      %dma_start3A_88 = arith.constant 0 : i32
      %dma_start3A_89 = tpu.memref_slice %arg14[%add3A_28, %dma_start3A_88] : memref<128x16384xf32, #tpu.memory_space<hbm>> -> memref<1x8192xf32, #tpu.memory_space<hbm>>
      %dma_start3A_90 = tpu.memref_squeeze %dma_start3A_89 : memref<1x8192xf32, #tpu.memory_space<hbm>> -> memref<8192xf32, #tpu.memory_space<hbm>>
      tpu.enqueue_dma source(%arg17 : memref<8192xf32, #tpu.memory_space<vmem>>) target(%dma_start3A_90 : memref<8192xf32, #tpu.memory_space<hbm>>) target_semaphore(%run_scoped3A : memref<!tpu.dma_semaphore, #tpu.memory_space<semaphore_mem>>)
      %dma_wait3A_91 = arith.constant 0 : i32
      %dma_wait3A_92 = tpu.memref_slice %arg14[%add3A_28, %dma_wait3A_91] : memref<128x16384xf32, #tpu.memory_space<hbm>> -> memref<1x8192xf32, #tpu.memory_space<hbm>>
      %dma_wait3A_93 = tpu.memref_squeeze %dma_wait3A_92 : memref<1x8192xf32, #tpu.memory_space<hbm>> -> memref<8192xf32, #tpu.memory_space<hbm>>
      %dma_wait3A_94 = arith.constant 0 : i32
      %dma_wait3A_95 = tpu.memref_slice %arg14[%add3A_28, %dma_wait3A_94] : memref<128x16384xf32, #tpu.memory_space<hbm>> -> memref<1x8192xf32, #tpu.memory_space<hbm>>
      %dma_wait3A_96 = tpu.memref_squeeze %dma_wait3A_95 : memref<1x8192xf32, #tpu.memory_space<hbm>> -> memref<8192xf32, #tpu.memory_space<hbm>>
      tpu.wait_dma2 semaphore(%run_scoped3A : memref<!tpu.dma_semaphore, #tpu.memory_space<semaphore_mem>>) src(%arg17 : memref<8192xf32, #tpu.memory_space<vmem>>) dst(%dma_wait3A_96 : memref<8192xf32, #tpu.memory_space<hbm>>)
      tpu.yield
    }) : () -> ()
    %scan3A_34 = arith.constant 0 : i32
    %scan3A_35 = arith.constant 512 : i32
    %scan3A_36 = arith.addi %scan3A_34, %scan3A_35 : i32
    %scan3A_37 = arith.constant 1 : i32
    scf.for %scan3A_85 = %scan3A_34 to %scan3A_36 step %scan3A_37  : i32 {
      %mul3A_86 = arith.constant 1 : i32
      %mul3A_87 = arith.muli %scan3A_85, %mul3A_86 : i32
      %add3A_88 = arith.constant 0 : i32
      %add3A_89 = arith.addi %add3A_88, %mul3A_87 : i32
      %mul3A_90 = arith.constant 16 : i32
      %mul3A_91 = arith.muli %add3A_89, %mul3A_90 : i32
      %add3A_92 = arith.constant 8192 : i32
      %add3A_93 = arith.addi %add3A_92, %mul3A_91 : i32
      %get3A = arith.index_cast %add3A_93 : i32 to index
      %get3A_94 = tpu.vector_load %arg16[%get3A] {strides = array<i32>} : memref<16384xi32, #tpu.memory_space<vmem>>, vector<16xi32>,
      %gather3A = tpu.vector_load_idx %arg15[%get3A_94] : memref<100000xf32, #tpu.memory_space<vmem>>[vector<16xi32>], vector<16xf32>,
      %mul3A_95 = arith.constant 16 : i32
      %mul3A_96 = arith.muli %add3A_89, %mul3A_95 : i32
      %swap3A = arith.index_cast %mul3A_96 : i32 to index
      %swap3A_97 = tpu.vector_load %arg17[%swap3A] {strides = array<i32>} : memref<8192xf32, #tpu.memory_space<vmem>>, vector<16xf32>,
      tpu.vector_store %arg17[%swap3A], %gather3A {strides = array<i32>} : memref<8192xf32, #tpu.memory_space<vmem>>, vector<16xf32>,
    }
    %scan3A_38 = arith.constant 512 : i32
    "tpu.region"() ({
      %run_scoped3A = tpu.sem_alloc : memref<!tpu.dma_semaphore, #tpu.memory_space<semaphore_mem>>
      %dma_start3A_85 = arith.constant 8192 : i32
      %dma_start3A_86 = tpu.memref_slice %arg14[%add3A_28, %dma_start3A_85] : memref<128x16384xf32, #tpu.memory_space<hbm>> -> memref<1x8192xf32, #tpu.memory_space<hbm>>
      %dma_start3A_87 = tpu.memref_squeeze %dma_start3A_86 : memref<1x8192xf32, #tpu.memory_space<hbm>> -> memref<8192xf32, #tpu.memory_space<hbm>>
      %dma_start3A_88 = arith.constant 8192 : i32
      %dma_start3A_89 = tpu.memref_slice %arg14[%add3A_28, %dma_start3A_88] : memref<128x16384xf32, #tpu.memory_space<hbm>> -> memref<1x8192xf32, #tpu.memory_space<hbm>>
      %dma_start3A_90 = tpu.memref_squeeze %dma_start3A_89 : memref<1x8192xf32, #tpu.memory_space<hbm>> -> memref<8192xf32, #tpu.memory_space<hbm>>
      tpu.enqueue_dma source(%arg17 : memref<8192xf32, #tpu.memory_space<vmem>>) target(%dma_start3A_90 : memref<8192xf32, #tpu.memory_space<hbm>>) target_semaphore(%run_scoped3A : memref<!tpu.dma_semaphore, #tpu.memory_space<semaphore_mem>>)
      %dma_wait3A_91 = arith.constant 8192 : i32
      %dma_wait3A_92 = tpu.memref_slice %arg14[%add3A_28, %dma_wait3A_91] : memref<128x16384xf32, #tpu.memory_space<hbm>> -> memref<1x8192xf32, #tpu.memory_space<hbm>>
      %dma_wait3A_93 = tpu.memref_squeeze %dma_wait3A_92 : memref<1x8192xf32, #tpu.memory_space<hbm>> -> memref<8192xf32, #tpu.memory_space<hbm>>
      %dma_wait3A_94 = arith.constant 8192 : i32
      %dma_wait3A_95 = tpu.memref_slice %arg14[%add3A_28, %dma_wait3A_94] : memref<128x16384xf32, #tpu.memory_space<hbm>> -> memref<1x8192xf32, #tpu.memory_space<hbm>>
      %dma_wait3A_96 = tpu.memref_squeeze %dma_wait3A_95 : memref<1x8192xf32, #tpu.memory_space<hbm>> -> memref<8192xf32, #tpu.memory_space<hbm>>
      tpu.wait_dma2 semaphore(%run_scoped3A : memref<!tpu.dma_semaphore, #tpu.memory_space<semaphore_mem>>) src(%arg17 : memref<8192xf32, #tpu.memory_space<vmem>>) dst(%dma_wait3A_96 : memref<8192xf32, #tpu.memory_space<hbm>>)
      tpu.yield
    }) : () -> ()
    %dma_start3A_39 = arith.constant 0 : i32
    %dma_start3A_40 = tpu.memref_slice %arg11[%add3A, %dma_start3A_39] : memref<32x100000xf32, #tpu.memory_space<hbm>> -> memref<1x100000xf32, #tpu.memory_space<hbm>>
    %dma_start3A_41 = tpu.memref_squeeze %dma_start3A_40 : memref<1x100000xf32, #tpu.memory_space<hbm>> -> memref<100000xf32, #tpu.memory_space<hbm>>
    %dma_start3A_42 = arith.constant 0 : i32
    %dma_start3A_43 = tpu.memref_slice %arg11[%add3A, %dma_start3A_42] : memref<32x100000xf32, #tpu.memory_space<hbm>> -> memref<1x100000xf32, #tpu.memory_space<hbm>>
    %dma_start3A_44 = tpu.memref_squeeze %dma_start3A_43 : memref<1x100000xf32, #tpu.memory_space<hbm>> -> memref<100000xf32, #tpu.memory_space<hbm>>
    tpu.enqueue_dma source(%dma_start3A_44 : memref<100000xf32, #tpu.memory_space<hbm>>) target(%arg15 : memref<100000xf32, #tpu.memory_space<vmem>>) target_semaphore(%arg18 : memref<!tpu.dma_semaphore, #tpu.memory_space<semaphore_mem>>)
    tpu.enqueue_dma source(%arg5 : memref<16384xi32, #tpu.memory_space<hbm>>) target(%arg16 : memref<16384xi32, #tpu.memory_space<vmem>>) target_semaphore(%arg18 : memref<!tpu.dma_semaphore, #tpu.memory_space<semaphore_mem>>)
    %dma_wait3A_45 = arith.constant 0 : i32
    %dma_wait3A_46 = tpu.memref_slice %arg11[%add3A, %dma_wait3A_45] : memref<32x100000xf32, #tpu.memory_space<hbm>> -> memref<1x100000xf32, #tpu.memory_space<hbm>>
    %dma_wait3A_47 = tpu.memref_squeeze %dma_wait3A_46 : memref<1x100000xf32, #tpu.memory_space<hbm>> -> memref<100000xf32, #tpu.memory_space<hbm>>
    %dma_wait3A_48 = arith.constant 0 : i32
    %dma_wait3A_49 = tpu.memref_slice %arg11[%add3A, %dma_wait3A_48] : memref<32x100000xf32, #tpu.memory_space<hbm>> -> memref<1x100000xf32, #tpu.memory_space<hbm>>
    %dma_wait3A_50 = tpu.memref_squeeze %dma_wait3A_49 : memref<1x100000xf32, #tpu.memory_space<hbm>> -> memref<100000xf32, #tpu.memory_space<hbm>>
    tpu.wait_dma2 semaphore(%arg18 : memref<!tpu.dma_semaphore, #tpu.memory_space<semaphore_mem>>) src(%dma_wait3A_50 : memref<100000xf32, #tpu.memory_space<hbm>>) dst(%arg15 : memref<100000xf32, #tpu.memory_space<vmem>>)
    tpu.wait_dma2 semaphore(%arg18 : memref<!tpu.dma_semaphore, #tpu.memory_space<semaphore_mem>>) src(%arg5 : memref<16384xi32, #tpu.memory_space<hbm>>) dst(%arg16 : memref<16384xi32, #tpu.memory_space<vmem>>)
    %add3A_51 = arith.constant 64 : i32
    %add3A_52 = arith.addi %add3A_51, %add3A : i32
    %scan3A_53 = arith.constant 0 : i32
    %scan3A_54 = arith.constant 512 : i32
    %scan3A_55 = arith.addi %scan3A_53, %scan3A_54 : i32
    %scan3A_56 = arith.constant 1 : i32
    scf.for %scan3A_85 = %scan3A_53 to %scan3A_55 step %scan3A_56  : i32 {
      %mul3A_86 = arith.constant 1 : i32
      %mul3A_87 = arith.muli %scan3A_85, %mul3A_86 : i32
      %add3A_88 = arith.constant 0 : i32
      %add3A_89 = arith.addi %add3A_88, %mul3A_87 : i32
      %mul3A_90 = arith.constant 16 : i32
      %mul3A_91 = arith.muli %add3A_89, %mul3A_90 : i32
      %add3A_92 = arith.constant 0 : i32
      %add3A_93 = arith.addi %add3A_92, %mul3A_91 : i32
      %get3A = arith.index_cast %add3A_93 : i32 to index
      %get3A_94 = tpu.vector_load %arg16[%get3A] {strides = array<i32>} : memref<16384xi32, #tpu.memory_space<vmem>>, vector<16xi32>,
      %gather3A = tpu.vector_load_idx %arg15[%get3A_94] : memref<100000xf32, #tpu.memory_space<vmem>>[vector<16xi32>], vector<16xf32>,
      %mul3A_95 = arith.constant 16 : i32
      %mul3A_96 = arith.muli %add3A_89, %mul3A_95 : i32
      %swap3A = arith.index_cast %mul3A_96 : i32 to index
      %swap3A_97 = tpu.vector_load %arg17[%swap3A] {strides = array<i32>} : memref<8192xf32, #tpu.memory_space<vmem>>, vector<16xf32>,
      tpu.vector_store %arg17[%swap3A], %gather3A {strides = array<i32>} : memref<8192xf32, #tpu.memory_space<vmem>>, vector<16xf32>,
    }
    %scan3A_57 = arith.constant 512 : i32
    "tpu.region"() ({
      %run_scoped3A = tpu.sem_alloc : memref<!tpu.dma_semaphore, #tpu.memory_space<semaphore_mem>>
      %dma_start3A_85 = arith.constant 0 : i32
      %dma_start3A_86 = tpu.memref_slice %arg14[%add3A_52, %dma_start3A_85] : memref<128x16384xf32, #tpu.memory_space<hbm>> -> memref<1x8192xf32, #tpu.memory_space<hbm>>
      %dma_start3A_87 = tpu.memref_squeeze %dma_start3A_86 : memref<1x8192xf32, #tpu.memory_space<hbm>> -> memref<8192xf32, #tpu.memory_space<hbm>>
      %dma_start3A_88 = arith.constant 0 : i32
      %dma_start3A_89 = tpu.memref_slice %arg14[%add3A_52, %dma_start3A_88] : memref<128x16384xf32, #tpu.memory_space<hbm>> -> memref<1x8192xf32, #tpu.memory_space<hbm>>
      %dma_start3A_90 = tpu.memref_squeeze %dma_start3A_89 : memref<1x8192xf32, #tpu.memory_space<hbm>> -> memref<8192xf32, #tpu.memory_space<hbm>>
      tpu.enqueue_dma source(%arg17 : memref<8192xf32, #tpu.memory_space<vmem>>) target(%dma_start3A_90 : memref<8192xf32, #tpu.memory_space<hbm>>) target_semaphore(%run_scoped3A : memref<!tpu.dma_semaphore, #tpu.memory_space<semaphore_mem>>)
      %dma_wait3A_91 = arith.constant 0 : i32
      %dma_wait3A_92 = tpu.memref_slice %arg14[%add3A_52, %dma_wait3A_91] : memref<128x16384xf32, #tpu.memory_space<hbm>> -> memref<1x8192xf32, #tpu.memory_space<hbm>>
      %dma_wait3A_93 = tpu.memref_squeeze %dma_wait3A_92 : memref<1x8192xf32, #tpu.memory_space<hbm>> -> memref<8192xf32, #tpu.memory_space<hbm>>
      %dma_wait3A_94 = arith.constant 0 : i32
      %dma_wait3A_95 = tpu.memref_slice %arg14[%add3A_52, %dma_wait3A_94] : memref<128x16384xf32, #tpu.memory_space<hbm>> -> memref<1x8192xf32, #tpu.memory_space<hbm>>
      %dma_wait3A_96 = tpu.memref_squeeze %dma_wait3A_95 : memref<1x8192xf32, #tpu.memory_space<hbm>> -> memref<8192xf32, #tpu.memory_space<hbm>>
      tpu.wait_dma2 semaphore(%run_scoped3A : memref<!tpu.dma_semaphore, #tpu.memory_space<semaphore_mem>>) src(%arg17 : memref<8192xf32, #tpu.memory_space<vmem>>) dst(%dma_wait3A_96 : memref<8192xf32, #tpu.memory_space<hbm>>)
      tpu.yield
    }) : () -> ()
    %scan3A_58 = arith.constant 0 : i32
    %scan3A_59 = arith.constant 512 : i32
    %scan3A_60 = arith.addi %scan3A_58, %scan3A_59 : i32
    %scan3A_61 = arith.constant 1 : i32
    scf.for %scan3A_85 = %scan3A_58 to %scan3A_60 step %scan3A_61  : i32 {
      %mul3A_86 = arith.constant 1 : i32
      %mul3A_87 = arith.muli %scan3A_85, %mul3A_86 : i32
      %add3A_88 = arith.constant 0 : i32
      %add3A_89 = arith.addi %add3A_88, %mul3A_87 : i32
      %mul3A_90 = arith.constant 16 : i32
      %mul3A_91 = arith.muli %add3A_89, %mul3A_90 : i32
      %add3A_92 = arith.constant 8192 : i32
      %add3A_93 = arith.addi %add3A_92, %mul3A_91 : i32
      %get3A = arith.index_cast %add3A_93 : i32 to index
      %get3A_94 = tpu.vector_load %arg16[%get3A] {strides = array<i32>} : memref<16384xi32, #tpu.memory_space<vmem>>, vector<16xi32>,
      %gather3A = tpu.vector_load_idx %arg15[%get3A_94] : memref<100000xf32, #tpu.memory_space<vmem>>[vector<16xi32>], vector<16xf32>,
      %mul3A_95 = arith.constant 16 : i32
      %mul3A_96 = arith.muli %add3A_89, %mul3A_95 : i32
      %swap3A = arith.index_cast %mul3A_96 : i32 to index
      %swap3A_97 = tpu.vector_load %arg17[%swap3A] {strides = array<i32>} : memref<8192xf32, #tpu.memory_space<vmem>>, vector<16xf32>,
      tpu.vector_store %arg17[%swap3A], %gather3A {strides = array<i32>} : memref<8192xf32, #tpu.memory_space<vmem>>, vector<16xf32>,
    }
    %scan3A_62 = arith.constant 512 : i32
    "tpu.region"() ({
      %run_scoped3A = tpu.sem_alloc : memref<!tpu.dma_semaphore, #tpu.memory_space<semaphore_mem>>
      %dma_start3A_85 = arith.constant 8192 : i32
      %dma_start3A_86 = tpu.memref_slice %arg14[%add3A_52, %dma_start3A_85] : memref<128x16384xf32, #tpu.memory_space<hbm>> -> memref<1x8192xf32, #tpu.memory_space<hbm>>
      %dma_start3A_87 = tpu.memref_squeeze %dma_start3A_86 : memref<1x8192xf32, #tpu.memory_space<hbm>> -> memref<8192xf32, #tpu.memory_space<hbm>>
      %dma_start3A_88 = arith.constant 8192 : i32
      %dma_start3A_89 = tpu.memref_slice %arg14[%add3A_52, %dma_start3A_88] : memref<128x16384xf32, #tpu.memory_space<hbm>> -> memref<1x8192xf32, #tpu.memory_space<hbm>>
      %dma_start3A_90 = tpu.memref_squeeze %dma_start3A_89 : memref<1x8192xf32, #tpu.memory_space<hbm>> -> memref<8192xf32, #tpu.memory_space<hbm>>
      tpu.enqueue_dma source(%arg17 : memref<8192xf32, #tpu.memory_space<vmem>>) target(%dma_start3A_90 : memref<8192xf32, #tpu.memory_space<hbm>>) target_semaphore(%run_scoped3A : memref<!tpu.dma_semaphore, #tpu.memory_space<semaphore_mem>>)
      %dma_wait3A_91 = arith.constant 8192 : i32
      %dma_wait3A_92 = tpu.memref_slice %arg14[%add3A_52, %dma_wait3A_91] : memref<128x16384xf32, #tpu.memory_space<hbm>> -> memref<1x8192xf32, #tpu.memory_space<hbm>>
      %dma_wait3A_93 = tpu.memref_squeeze %dma_wait3A_92 : memref<1x8192xf32, #tpu.memory_space<hbm>> -> memref<8192xf32, #tpu.memory_space<hbm>>
      %dma_wait3A_94 = arith.constant 8192 : i32
      %dma_wait3A_95 = tpu.memref_slice %arg14[%add3A_52, %dma_wait3A_94] : memref<128x16384xf32, #tpu.memory_space<hbm>> -> memref<1x8192xf32, #tpu.memory_space<hbm>>
      %dma_wait3A_96 = tpu.memref_squeeze %dma_wait3A_95 : memref<1x8192xf32, #tpu.memory_space<hbm>> -> memref<8192xf32, #tpu.memory_space<hbm>>
      tpu.wait_dma2 semaphore(%run_scoped3A : memref<!tpu.dma_semaphore, #tpu.memory_space<semaphore_mem>>) src(%arg17 : memref<8192xf32, #tpu.memory_space<vmem>>) dst(%dma_wait3A_96 : memref<8192xf32, #tpu.memory_space<hbm>>)
      tpu.yield
    }) : () -> ()
    %lt3A_63 = arith.constant 16 : i32
    %lt3A_64 = arith.cmpi slt, %add3A, %lt3A_63 : i32
    %convert_element_type3A_65 = arith.extui %lt3A_64 : i1 to i32
    %cond3A_66 = arith.constant 0 : i32
    %cond3A_67 = arith.cmpi ne, %convert_element_type3A_65, %cond3A_66 : i32
    scf.if %cond3A_67 {
      %dma_start3A_85 = arith.constant 0 : i32
      %dma_start3A_86 = tpu.memref_slice %arg12[%add3A, %dma_start3A_85] : memref<16x100000xf32, #tpu.memory_space<hbm>> -> memref<1x100000xf32, #tpu.memory_space<hbm>>
      %dma_start3A_87 = tpu.memref_squeeze %dma_start3A_86 : memref<1x100000xf32, #tpu.memory_space<hbm>> -> memref<100000xf32, #tpu.memory_space<hbm>>
      %dma_start3A_88 = arith.constant 0 : i32
      %dma_start3A_89 = tpu.memref_slice %arg12[%add3A, %dma_start3A_88] : memref<16x100000xf32, #tpu.memory_space<hbm>> -> memref<1x100000xf32, #tpu.memory_space<hbm>>
      %dma_start3A_90 = tpu.memref_squeeze %dma_start3A_89 : memref<1x100000xf32, #tpu.memory_space<hbm>> -> memref<100000xf32, #tpu.memory_space<hbm>>
      tpu.enqueue_dma source(%dma_start3A_90 : memref<100000xf32, #tpu.memory_space<hbm>>) target(%arg15 : memref<100000xf32, #tpu.memory_space<vmem>>) target_semaphore(%arg18 : memref<!tpu.dma_semaphore, #tpu.memory_space<semaphore_mem>>)
      tpu.enqueue_dma source(%arg6 : memref<16384xi32, #tpu.memory_space<hbm>>) target(%arg16 : memref<16384xi32, #tpu.memory_space<vmem>>) target_semaphore(%arg18 : memref<!tpu.dma_semaphore, #tpu.memory_space<semaphore_mem>>)
      %dma_wait3A_91 = arith.constant 0 : i32
      %dma_wait3A_92 = tpu.memref_slice %arg12[%add3A, %dma_wait3A_91] : memref<16x100000xf32, #tpu.memory_space<hbm>> -> memref<1x100000xf32, #tpu.memory_space<hbm>>
      %dma_wait3A_93 = tpu.memref_squeeze %dma_wait3A_92 : memref<1x100000xf32, #tpu.memory_space<hbm>> -> memref<100000xf32, #tpu.memory_space<hbm>>
      %dma_wait3A_94 = arith.constant 0 : i32
      %dma_wait3A_95 = tpu.memref_slice %arg12[%add3A, %dma_wait3A_94] : memref<16x100000xf32, #tpu.memory_space<hbm>> -> memref<1x100000xf32, #tpu.memory_space<hbm>>
      %dma_wait3A_96 = tpu.memref_squeeze %dma_wait3A_95 : memref<1x100000xf32, #tpu.memory_space<hbm>> -> memref<100000xf32, #tpu.memory_space<hbm>>
      tpu.wait_dma2 semaphore(%arg18 : memref<!tpu.dma_semaphore, #tpu.memory_space<semaphore_mem>>) src(%dma_wait3A_96 : memref<100000xf32, #tpu.memory_space<hbm>>) dst(%arg15 : memref<100000xf32, #tpu.memory_space<vmem>>)
      tpu.wait_dma2 semaphore(%arg18 : memref<!tpu.dma_semaphore, #tpu.memory_space<semaphore_mem>>) src(%arg6 : memref<16384xi32, #tpu.memory_space<hbm>>) dst(%arg16 : memref<16384xi32, #tpu.memory_space<vmem>>)
    } else {
    }
    %ge3A_68 = arith.constant 16 : i32
    %ge3A_69 = arith.cmpi sge, %add3A, %ge3A_68 : i32
    %convert_element_type3A_70 = arith.extui %ge3A_69 : i1 to i32
    %cond3A_71 = arith.constant 0 : i32
    %cond3A_72 = arith.cmpi ne, %convert_element_type3A_70, %cond3A_71 : i32
    scf.if %cond3A_72 {
      %dma_start3A_85 = arith.constant 0 : i32
      %dma_start3A_86 = tpu.memref_slice %arg13[%sub3A_1, %dma_start3A_85] : memref<16x100000xf32, #tpu.memory_space<hbm>> -> memref<1x100000xf32, #tpu.memory_space<hbm>>
      %dma_start3A_87 = tpu.memref_squeeze %dma_start3A_86 : memref<1x100000xf32, #tpu.memory_space<hbm>> -> memref<100000xf32, #tpu.memory_space<hbm>>
      %dma_start3A_88 = arith.constant 0 : i32
      %dma_start3A_89 = tpu.memref_slice %arg13[%sub3A_1, %dma_start3A_88] : memref<16x100000xf32, #tpu.memory_space<hbm>> -> memref<1x100000xf32, #tpu.memory_space<hbm>>
      %dma_start3A_90 = tpu.memref_squeeze %dma_start3A_89 : memref<1x100000xf32, #tpu.memory_space<hbm>> -> memref<100000xf32, #tpu.memory_space<hbm>>
      tpu.enqueue_dma source(%dma_start3A_90 : memref<100000xf32, #tpu.memory_space<hbm>>) target(%arg15 : memref<100000xf32, #tpu.memory_space<vmem>>) target_semaphore(%arg18 : memref<!tpu.dma_semaphore, #tpu.memory_space<semaphore_mem>>)
      tpu.enqueue_dma source(%arg7 : memref<16384xi32, #tpu.memory_space<hbm>>) target(%arg16 : memref<16384xi32, #tpu.memory_space<vmem>>) target_semaphore(%arg18 : memref<!tpu.dma_semaphore, #tpu.memory_space<semaphore_mem>>)
      %dma_wait3A_91 = arith.constant 0 : i32
      %dma_wait3A_92 = tpu.memref_slice %arg13[%sub3A_1, %dma_wait3A_91] : memref<16x100000xf32, #tpu.memory_space<hbm>> -> memref<1x100000xf32, #tpu.memory_space<hbm>>
      %dma_wait3A_93 = tpu.memref_squeeze %dma_wait3A_92 : memref<1x100000xf32, #tpu.memory_space<hbm>> -> memref<100000xf32, #tpu.memory_space<hbm>>
      %dma_wait3A_94 = arith.constant 0 : i32
      %dma_wait3A_95 = tpu.memref_slice %arg13[%sub3A_1, %dma_wait3A_94] : memref<16x100000xf32, #tpu.memory_space<hbm>> -> memref<1x100000xf32, #tpu.memory_space<hbm>>
      %dma_wait3A_96 = tpu.memref_squeeze %dma_wait3A_95 : memref<1x100000xf32, #tpu.memory_space<hbm>> -> memref<100000xf32, #tpu.memory_space<hbm>>
      tpu.wait_dma2 semaphore(%arg18 : memref<!tpu.dma_semaphore, #tpu.memory_space<semaphore_mem>>) src(%dma_wait3A_96 : memref<100000xf32, #tpu.memory_space<hbm>>) dst(%arg15 : memref<100000xf32, #tpu.memory_space<vmem>>)
      tpu.wait_dma2 semaphore(%arg18 : memref<!tpu.dma_semaphore, #tpu.memory_space<semaphore_mem>>) src(%arg7 : memref<16384xi32, #tpu.memory_space<hbm>>) dst(%arg16 : memref<16384xi32, #tpu.memory_space<vmem>>)
    } else {
    }
    %add3A_73 = arith.constant 96 : i32
    %add3A_74 = arith.addi %add3A_73, %add3A : i32
    %scan3A_75 = arith.constant 0 : i32
    %scan3A_76 = arith.constant 512 : i32
    %scan3A_77 = arith.addi %scan3A_75, %scan3A_76 : i32
    %scan3A_78 = arith.constant 1 : i32
    scf.for %scan3A_85 = %scan3A_75 to %scan3A_77 step %scan3A_78  : i32 {
      %mul3A_86 = arith.constant 1 : i32
      %mul3A_87 = arith.muli %scan3A_85, %mul3A_86 : i32
      %add3A_88 = arith.constant 0 : i32
      %add3A_89 = arith.addi %add3A_88, %mul3A_87 : i32
      %mul3A_90 = arith.constant 16 : i32
      %mul3A_91 = arith.muli %add3A_89, %mul3A_90 : i32
      %add3A_92 = arith.constant 0 : i32
      %add3A_93 = arith.addi %add3A_92, %mul3A_91 : i32
      %get3A = arith.index_cast %add3A_93 : i32 to index
      %get3A_94 = tpu.vector_load %arg16[%get3A] {strides = array<i32>} : memref<16384xi32, #tpu.memory_space<vmem>>, vector<16xi32>,
      %gather3A = tpu.vector_load_idx %arg15[%get3A_94] : memref<100000xf32, #tpu.memory_space<vmem>>[vector<16xi32>], vector<16xf32>,
      %mul3A_95 = arith.constant 16 : i32
      %mul3A_96 = arith.muli %add3A_89, %mul3A_95 : i32
      %swap3A = arith.index_cast %mul3A_96 : i32 to index
      %swap3A_97 = tpu.vector_load %arg17[%swap3A] {strides = array<i32>} : memref<8192xf32, #tpu.memory_space<vmem>>, vector<16xf32>,
      tpu.vector_store %arg17[%swap3A], %gather3A {strides = array<i32>} : memref<8192xf32, #tpu.memory_space<vmem>>, vector<16xf32>,
    }
    %scan3A_79 = arith.constant 512 : i32
    "tpu.region"() ({
      %run_scoped3A = tpu.sem_alloc : memref<!tpu.dma_semaphore, #tpu.memory_space<semaphore_mem>>
      %dma_start3A_85 = arith.constant 0 : i32
      %dma_start3A_86 = tpu.memref_slice %arg14[%add3A_74, %dma_start3A_85] : memref<128x16384xf32, #tpu.memory_space<hbm>> -> memref<1x8192xf32, #tpu.memory_space<hbm>>
      %dma_start3A_87 = tpu.memref_squeeze %dma_start3A_86 : memref<1x8192xf32, #tpu.memory_space<hbm>> -> memref<8192xf32, #tpu.memory_space<hbm>>
      %dma_start3A_88 = arith.constant 0 : i32
      %dma_start3A_89 = tpu.memref_slice %arg14[%add3A_74, %dma_start3A_88] : memref<128x16384xf32, #tpu.memory_space<hbm>> -> memref<1x8192xf32, #tpu.memory_space<hbm>>
      %dma_start3A_90 = tpu.memref_squeeze %dma_start3A_89 : memref<1x8192xf32, #tpu.memory_space<hbm>> -> memref<8192xf32, #tpu.memory_space<hbm>>
      tpu.enqueue_dma source(%arg17 : memref<8192xf32, #tpu.memory_space<vmem>>) target(%dma_start3A_90 : memref<8192xf32, #tpu.memory_space<hbm>>) target_semaphore(%run_scoped3A : memref<!tpu.dma_semaphore, #tpu.memory_space<semaphore_mem>>)
      %dma_wait3A_91 = arith.constant 0 : i32
      %dma_wait3A_92 = tpu.memref_slice %arg14[%add3A_74, %dma_wait3A_91] : memref<128x16384xf32, #tpu.memory_space<hbm>> -> memref<1x8192xf32, #tpu.memory_space<hbm>>
      %dma_wait3A_93 = tpu.memref_squeeze %dma_wait3A_92 : memref<1x8192xf32, #tpu.memory_space<hbm>> -> memref<8192xf32, #tpu.memory_space<hbm>>
      %dma_wait3A_94 = arith.constant 0 : i32
      %dma_wait3A_95 = tpu.memref_slice %arg14[%add3A_74, %dma_wait3A_94] : memref<128x16384xf32, #tpu.memory_space<hbm>> -> memref<1x8192xf32, #tpu.memory_space<hbm>>
      %dma_wait3A_96 = tpu.memref_squeeze %dma_wait3A_95 : memref<1x8192xf32, #tpu.memory_space<hbm>> -> memref<8192xf32, #tpu.memory_space<hbm>>
      tpu.wait_dma2 semaphore(%run_scoped3A : memref<!tpu.dma_semaphore, #tpu.memory_space<semaphore_mem>>) src(%arg17 : memref<8192xf32, #tpu.memory_space<vmem>>) dst(%dma_wait3A_96 : memref<8192xf32, #tpu.memory_space<hbm>>)
      tpu.yield
    }) : () -> ()
    %scan3A_80 = arith.constant 0 : i32
    %scan3A_81 = arith.constant 512 : i32
    %scan3A_82 = arith.addi %scan3A_80, %scan3A_81 : i32
    %scan3A_83 = arith.constant 1 : i32
    scf.for %scan3A_85 = %scan3A_80 to %scan3A_82 step %scan3A_83  : i32 {
      %mul3A_86 = arith.constant 1 : i32
      %mul3A_87 = arith.muli %scan3A_85, %mul3A_86 : i32
      %add3A_88 = arith.constant 0 : i32
      %add3A_89 = arith.addi %add3A_88, %mul3A_87 : i32
      %mul3A_90 = arith.constant 16 : i32
      %mul3A_91 = arith.muli %add3A_89, %mul3A_90 : i32
      %add3A_92 = arith.constant 8192 : i32
      %add3A_93 = arith.addi %add3A_92, %mul3A_91 : i32
      %get3A = arith.index_cast %add3A_93 : i32 to index
      %get3A_94 = tpu.vector_load %arg16[%get3A] {strides = array<i32>} : memref<16384xi32, #tpu.memory_space<vmem>>, vector<16xi32>,
      %gather3A = tpu.vector_load_idx %arg15[%get3A_94] : memref<100000xf32, #tpu.memory_space<vmem>>[vector<16xi32>], vector<16xf32>,
      %mul3A_95 = arith.constant 16 : i32
      %mul3A_96 = arith.muli %add3A_89, %mul3A_95 : i32
      %swap3A = arith.index_cast %mul3A_96 : i32 to index
      %swap3A_97 = tpu.vector_load %arg17[%swap3A] {strides = array<i32>} : memref<8192xf32, #tpu.memory_space<vmem>>, vector<16xf32>,
      tpu.vector_store %arg17[%swap3A], %gather3A {strides = array<i32>} : memref<8192xf32, #tpu.memory_space<vmem>>, vector<16xf32>,
    }
    %scan3A_84 = arith.constant 512 : i32
    "tpu.region"() ({
      %run_scoped3A = tpu.sem_alloc : memref<!tpu.dma_semaphore, #tpu.memory_space<semaphore_mem>>
      %dma_start3A_85 = arith.constant 8192 : i32
      %dma_start3A_86 = tpu.memref_slice %arg14[%add3A_74, %dma_start3A_85] : memref<128x16384xf32, #tpu.memory_space<hbm>> -> memref<1x8192xf32, #tpu.memory_space<hbm>>
      %dma_start3A_87 = tpu.memref_squeeze %dma_start3A_86 : memref<1x8192xf32, #tpu.memory_space<hbm>> -> memref<8192xf32, #tpu.memory_space<hbm>>
      %dma_start3A_88 = arith.constant 8192 : i32
      %dma_start3A_89 = tpu.memref_slice %arg14[%add3A_74, %dma_start3A_88] : memref<128x16384xf32, #tpu.memory_space<hbm>> -> memref<1x8192xf32, #tpu.memory_space<hbm>>
      %dma_start3A_90 = tpu.memref_squeeze %dma_start3A_89 : memref<1x8192xf32, #tpu.memory_space<hbm>> -> memref<8192xf32, #tpu.memory_space<hbm>>
      tpu.enqueue_dma source(%arg17 : memref<8192xf32, #tpu.memory_space<vmem>>) target(%dma_start3A_90 : memref<8192xf32, #tpu.memory_space<hbm>>) target_semaphore(%run_scoped3A : memref<!tpu.dma_semaphore, #tpu.memory_space<semaphore_mem>>)
      %dma_wait3A_91 = arith.constant 8192 : i32
      %dma_wait3A_92 = tpu.memref_slice %arg14[%add3A_74, %dma_wait3A_91] : memref<128x16384xf32, #tpu.memory_space<hbm>> -> memref<1x8192xf32, #tpu.memory_space<hbm>>
      %dma_wait3A_93 = tpu.memref_squeeze %dma_wait3A_92 : memref<1x8192xf32, #tpu.memory_space<hbm>> -> memref<8192xf32, #tpu.memory_space<hbm>>
      %dma_wait3A_94 = arith.constant 8192 : i32
      %dma_wait3A_95 = tpu.memref_slice %arg14[%add3A_74, %dma_wait3A_94] : memref<128x16384xf32, #tpu.memory_space<hbm>> -> memref<1x8192xf32, #tpu.memory_space<hbm>>
      %dma_wait3A_96 = tpu.memref_squeeze %dma_wait3A_95 : memref<1x8192xf32, #tpu.memory_space<hbm>> -> memref<8192xf32, #tpu.memory_space<hbm>>
      tpu.wait_dma2 semaphore(%run_scoped3A : memref<!tpu.dma_semaphore, #tpu.memory_space<semaphore_mem>>) src(%arg17 : memref<8192xf32, #tpu.memory_space<vmem>>) dst(%dma_wait3A_96 : memref<8192xf32, #tpu.memory_space<hbm>>)
      tpu.yield
    }) : () -> ()
    return
  }
}

module attributes {stable_mosaic.version = 14 : i64} {
  func.func @_mlp_body(%arg0: i32, %arg1: memref<128x8192xf32, #tpu.memory_space<vmem>>, %arg2: memref<64x128xf32, #tpu.memory_space<vmem>>, %arg3: memref<64x1xf32, #tpu.memory_space<vmem>>, %arg4: memref<32x64xf32, #tpu.memory_space<vmem>>, %arg5: memref<32x1xf32, #tpu.memory_space<vmem>>, %arg6: memref<16x32xf32, #tpu.memory_space<vmem>>, %arg7: memref<16x1xf32, #tpu.memory_space<vmem>>, %arg8: memref<1x17xf32, #tpu.memory_space<vmem>>, %arg9: memref<1x1xf32, #tpu.memory_space<vmem>>, %arg10: memref<1x8192xf32, #tpu.memory_space<vmem>>) attributes {dimension_semantics = [#tpu.dimension_semantics<arbitrary>], iteration_bounds = array<i64: 2>, scalar_prefetch = 0 : i64, scratch_operands = 0 : i64, tpu.core_type = #tpu.core_type<tc>, window_params = [{transform_indices = @transform_0, window_bounds = array<i64: 128, 8192>}, {pipeline_mode = #tpu.pipeline_mode<synchronous>, transform_indices = @transform_1, window_bounds = array<i64: 64, 128>}, {pipeline_mode = #tpu.pipeline_mode<synchronous>, transform_indices = @transform_2, window_bounds = array<i64: 64, 1>}, {pipeline_mode = #tpu.pipeline_mode<synchronous>, transform_indices = @transform_3, window_bounds = array<i64: 32, 64>}, {pipeline_mode = #tpu.pipeline_mode<synchronous>, transform_indices = @transform_4, window_bounds = array<i64: 32, 1>}, {pipeline_mode = #tpu.pipeline_mode<synchronous>, transform_indices = @transform_5, window_bounds = array<i64: 16, 32>}, {pipeline_mode = #tpu.pipeline_mode<synchronous>, transform_indices = @transform_6, window_bounds = array<i64: 16, 1>}, {pipeline_mode = #tpu.pipeline_mode<synchronous>, transform_indices = @transform_7, window_bounds = array<i64: 1, 17>}, {pipeline_mode = #tpu.pipeline_mode<synchronous>, transform_indices = @transform_8, window_bounds = array<i64: 1, 1>}, {transform_indices = @transform_9, window_bounds = array<i64: 1, 8192>}]} {
    %get3A = arith.constant 0 : index
    %get3A_0 = arith.constant 0 : index
    %get3A_1 = vector.load %arg1[%get3A, %get3A_0] : memref<128x8192xf32, #tpu.memory_space<vmem>>, vector<128x8192xf32>
    %slice3A = vector.extract_strided_slice %get3A_1 {offsets = [33, 0], sizes = [31, 8192], strides = [1, 1]} : vector<128x8192xf32> to vector<31x8192xf32>
    %mul3A = arith.mulf %slice3A, %slice3A : vector<31x8192xf32>
    %reduce_sum3A = arith.constant dense<0.000000e+00> : vector<8192xf32>
    %reduce_sum3A_2 = vector.multi_reduction <add>, %mul3A, %reduce_sum3A [0] : vector<31x8192xf32> to vector<8192xf32>
    %broadcast_in_dim3A = vector.shape_cast %reduce_sum3A_2 : vector<8192xf32> to vector<1x8192xf32>
    %sqrt3A = math.sqrt %broadcast_in_dim3A : vector<1x8192xf32>
    %max3A = arith.constant 9.99999993E-9 : f32
    %max3A_3 = vector.broadcast %max3A : f32 to vector<1x8192xf32>
    %max3A_4 = arith.maximumf %sqrt3A, %max3A_3 : vector<1x8192xf32>
    %mul3A_5 = arith.mulf %max3A_4, %max3A_4 : vector<1x8192xf32>
    %div3A = arith.divf %broadcast_in_dim3A, %mul3A_5 : vector<1x8192xf32>
    %get3A_6 = arith.constant 0 : index
    %get3A_7 = arith.constant 0 : index
    %get3A_8 = vector.load %arg2[%get3A_6, %get3A_7] : memref<64x128xf32, #tpu.memory_space<vmem>>, vector<64x128xf32>
    %dot_general3A = arith.constant dense<0.000000e+00> : vector<64x8192xf32>
    %dot_general3A_9 = tpu.matmul %get3A_8, %get3A_1, %dot_general3A {dimension_numbers = #tpu.dot_dimension_numbers<[1], [0], [0], [1], [0, 0, 1, 1], [], []>, transpose_lhs_hint = false} : vector<64x128xf32>, vector<128x8192xf32>, vector<64x8192xf32> -> vector<64x8192xf32>
    %get3A_10 = arith.constant 0 : index
    %get3A_11 = arith.constant 0 : index
    %get3A_12 = vector.load %arg3[%get3A_10, %get3A_11] : memref<64x1xf32, #tpu.memory_space<vmem>>, vector<64x1xf32>
    %add3A = vector.broadcast %get3A_12 : vector<64x1xf32> to vector<64x8192xf32>
    %add3A_13 = arith.addf %dot_general3A_9, %add3A : vector<64x8192xf32>
    %max3A_14 = arith.constant 0.000000e+00 : f32
    %max3A_15 = vector.broadcast %max3A_14 : f32 to vector<64x8192xf32>
    %max3A_16 = arith.maximumf %add3A_13, %max3A_15 : vector<64x8192xf32>
    %get3A_17 = arith.constant 0 : index
    %get3A_18 = arith.constant 0 : index
    %get3A_19 = vector.load %arg4[%get3A_17, %get3A_18] : memref<32x64xf32, #tpu.memory_space<vmem>>, vector<32x64xf32>
    %dot_general3A_20 = arith.constant dense<0.000000e+00> : vector<32x8192xf32>
    %dot_general3A_21 = tpu.matmul %get3A_19, %max3A_16, %dot_general3A_20 {dimension_numbers = #tpu.dot_dimension_numbers<[1], [0], [0], [1], [0, 0, 1, 1], [], []>, transpose_lhs_hint = false} : vector<32x64xf32>, vector<64x8192xf32>, vector<32x8192xf32> -> vector<32x8192xf32>
    %get3A_22 = arith.constant 0 : index
    %get3A_23 = arith.constant 0 : index
    %get3A_24 = vector.load %arg5[%get3A_22, %get3A_23] : memref<32x1xf32, #tpu.memory_space<vmem>>, vector<32x1xf32>
    %add3A_25 = vector.broadcast %get3A_24 : vector<32x1xf32> to vector<32x8192xf32>
    %add3A_26 = arith.addf %dot_general3A_21, %add3A_25 : vector<32x8192xf32>
    %max3A_27 = arith.constant 0.000000e+00 : f32
    %max3A_28 = vector.broadcast %max3A_27 : f32 to vector<32x8192xf32>
    %max3A_29 = arith.maximumf %add3A_26, %max3A_28 : vector<32x8192xf32>
    %get3A_30 = arith.constant 0 : index
    %get3A_31 = arith.constant 0 : index
    %get3A_32 = vector.load %arg6[%get3A_30, %get3A_31] : memref<16x32xf32, #tpu.memory_space<vmem>>, vector<16x32xf32>
    %dot_general3A_33 = arith.constant dense<0.000000e+00> : vector<16x8192xf32>
    %dot_general3A_34 = tpu.matmul %get3A_32, %max3A_29, %dot_general3A_33 {dimension_numbers = #tpu.dot_dimension_numbers<[1], [0], [0], [1], [0, 0, 1, 1], [], []>, transpose_lhs_hint = false} : vector<16x32xf32>, vector<32x8192xf32>, vector<16x8192xf32> -> vector<16x8192xf32>
    %get3A_35 = arith.constant 0 : index
    %get3A_36 = arith.constant 0 : index
    %get3A_37 = vector.load %arg7[%get3A_35, %get3A_36] : memref<16x1xf32, #tpu.memory_space<vmem>>, vector<16x1xf32>
    %add3A_38 = vector.broadcast %get3A_37 : vector<16x1xf32> to vector<16x8192xf32>
    %add3A_39 = arith.addf %dot_general3A_34, %add3A_38 : vector<16x8192xf32>
    %max3A_40 = arith.constant 0.000000e+00 : f32
    %max3A_41 = vector.broadcast %max3A_40 : f32 to vector<16x8192xf32>
    %max3A_42 = arith.maximumf %add3A_39, %max3A_41 : vector<16x8192xf32>
    %concatenate3A = tpu.concatenate %max3A_42, %div3A in 0 : vector<16x8192xf32>, vector<1x8192xf32> -> vector<17x8192xf32>
    %get3A_43 = arith.constant 0 : index
    %get3A_44 = arith.constant 0 : index
    %get3A_45 = vector.load %arg8[%get3A_43, %get3A_44] : memref<1x17xf32, #tpu.memory_space<vmem>>, vector<1x17xf32>
    %dot_general3A_46 = arith.constant dense<0.000000e+00> : vector<1x8192xf32>
    %dot_general3A_47 = tpu.matmul %get3A_45, %concatenate3A, %dot_general3A_46 {dimension_numbers = #tpu.dot_dimension_numbers<[1], [0], [0], [1], [0, 0, 1, 1], [], []>, transpose_lhs_hint = false} : vector<1x17xf32>, vector<17x8192xf32>, vector<1x8192xf32> -> vector<1x8192xf32>
    %get3A_48 = arith.constant 0 : index
    %get3A_49 = arith.constant 0 : index
    %get3A_50 = vector.load %arg9[%get3A_48, %get3A_49] : memref<1x1xf32, #tpu.memory_space<vmem>>, vector<1x1xf32>
    %add3A_51 = vector.broadcast %get3A_50 : vector<1x1xf32> to vector<1x8192xf32>
    %add3A_52 = arith.addf %dot_general3A_47, %add3A_51 : vector<1x8192xf32>
    %swap3A = arith.constant 0 : index
    %swap3A_53 = arith.constant 0 : index
    %swap3A_54 = vector.load %arg10[%swap3A, %swap3A_53] : memref<1x8192xf32, #tpu.memory_space<vmem>>, vector<1x8192xf32>
    tpu.vector_store %arg10[%swap3A, %swap3A_53], %add3A_52 {strides = array<i32>} : memref<1x8192xf32, #tpu.memory_space<vmem>>, vector<1x8192xf32>,
    return
  }
  func.func @transform_0(%arg0: i32) -> (i32, i32) {
    %c0_i32 = arith.constant 0 : i32
    %c0_i32_0 = arith.constant 0 : i32
    return %c0_i32, %arg0 : i32, i32
  }
  func.func @transform_1(%arg0: i32) -> (i32, i32) {
    %c0_i32 = arith.constant 0 : i32
    %c0_i32_0 = arith.constant 0 : i32
    %c0_i32_1 = arith.constant 0 : i32
    return %c0_i32, %c0_i32_0 : i32, i32
  }
  func.func @transform_2(%arg0: i32) -> (i32, i32) {
    %c0_i32 = arith.constant 0 : i32
    %c0_i32_0 = arith.constant 0 : i32
    %c0_i32_1 = arith.constant 0 : i32
    return %c0_i32, %c0_i32_0 : i32, i32
  }
  func.func @transform_3(%arg0: i32) -> (i32, i32) {
    %c0_i32 = arith.constant 0 : i32
    %c0_i32_0 = arith.constant 0 : i32
    %c0_i32_1 = arith.constant 0 : i32
    return %c0_i32, %c0_i32_0 : i32, i32
  }
  func.func @transform_4(%arg0: i32) -> (i32, i32) {
    %c0_i32 = arith.constant 0 : i32
    %c0_i32_0 = arith.constant 0 : i32
    %c0_i32_1 = arith.constant 0 : i32
    return %c0_i32, %c0_i32_0 : i32, i32
  }
  func.func @transform_5(%arg0: i32) -> (i32, i32) {
    %c0_i32 = arith.constant 0 : i32
    %c0_i32_0 = arith.constant 0 : i32
    %c0_i32_1 = arith.constant 0 : i32
    return %c0_i32, %c0_i32_0 : i32, i32
  }
  func.func @transform_6(%arg0: i32) -> (i32, i32) {
    %c0_i32 = arith.constant 0 : i32
    %c0_i32_0 = arith.constant 0 : i32
    %c0_i32_1 = arith.constant 0 : i32
    return %c0_i32, %c0_i32_0 : i32, i32
  }
  func.func @transform_7(%arg0: i32) -> (i32, i32) {
    %c0_i32 = arith.constant 0 : i32
    %c0_i32_0 = arith.constant 0 : i32
    %c0_i32_1 = arith.constant 0 : i32
    return %c0_i32, %c0_i32_0 : i32, i32
  }
  func.func @transform_8(%arg0: i32) -> (i32, i32) {
    %c0_i32 = arith.constant 0 : i32
    %c0_i32_0 = arith.constant 0 : i32
    %c0_i32_1 = arith.constant 0 : i32
    return %c0_i32, %c0_i32_0 : i32, i32
  }
  func.func @transform_9(%arg0: i32) -> (i32, i32) {
    %c0_i32 = arith.constant 0 : i32
    %c0_i32_0 = arith.constant 0 : i32
    return %c0_i32, %arg0 : i32, i32
  }
}

</mosaic_0001>

<sc_bundles>
// kernel: kernel.4.cloned.1.call-start
scs
__scs_entry_jumppad:
0x0: {  	(pc) =	sbr.rel $0x88, $3  }
0x1: {  	(tag) =	ssettag $0x0;
	lr =	simm.s32 $0x1  }
0x2: {  	[smem:$0x3F91] =	sst lr;
	_ =	strace $0xD0000000  }
0x3: {  	_ = 	snop  }
0x4: {  	_ = 	snop  }
0x5: {  	_ = 	snop  }
0x6: {  	_ = 	snop  }
0x7: {  	_ = 	snop  }
__scs_overlays_trampoline_lowered:
0x8: {  	[smem:$0x3FA0] =	sst s0  }
0x9: {  	[smem:$0x3FA1] =	sst s1  }
0xa: {  	[smem:$0x3FA2] =	sst s2  }
0xb: {  	[smem:$0x3FA3] =	sst s3  }
0xc: {  	[smem:$0x3FA4] =	sst s4  }
0xd: {  	[smem:$0x3FA5] =	sst s5  }
0xe: {  	[smem:$0x3FA6] =	sst s6  }
0xf: {  	[smem:$0x3FA7] =	sst s7  }
0x10: {  	[smem:$0x3FA8] =	sst s8  }
0x11: {  	[smem:$0x3FA9] =	sst s9;
	s0 =	simm.s32 @!p0 $0x0  }
0x12: {  	s1 =	sld [smem:$0x3F8F];
	s0 =	simm.s32 @p0 $0x1  }
0x13: {  	[smem:$0x3FAA] =	sst s0;
	s0 =	simm.s32 @!p1 $0x0  }
0x14: {  	s2 =	sld [smem:$0x3F8E];
	s0 =	simm.s32 @p1 $0x1  }
0x15: {  	[smem:$0x3FAB] =	sst s0;
	s0 =	simm.s32 @!p2 $0x0  }
0x16: {  	s3 =	sld [smem:$0x3FDB];
	s0 =	simm.s32 @p2 $0x1  }
0x17: {  	s4 =	simm.s32 $0x1BF5;
	[smem:$0x3FAD] =	sst s0  }
0x18: {  	s0 =	sld [smem:$0x3F90];
	_ =	swait.ge [sflag:s4], $0x0  }
0x19: {  	s7 =	sld [smem:$0x3F91]  }
0x1a: {  	s8 =	sadd.s32 $0xFFFFE003, lr  }
0x1b: {  	s9 =	sadd.s32 $0xFFFFFEF7, lr;
	s5 =	simm.s32 $0xFFFFFFFF;
	p2 =	slt.u32 s8, $0xFFFFF086  }
0x1c: {  	p1 =	slt.u32 s9, $0xF7A;
	s5 =	simm.s32 @!p2 $0x0  }
0x1d: {  	s5 =	simm.s32 @p1 $0x1;
	p0 =	seq.s32 s7, s2  }
0x1e: {  	s7 =	smul.u32 @!p0 $0xF7A, s2;
	p2 =	seq.s32 @!p0 s5, $0x0  }
0x1f: {  	s9 =	smul.u32 $0xF7A, s1;
	s8 =	simm.s32 @!p0 $0x1BF5;
	p2 =	por !p2, p0  }
0x20: {  	[sflag:s8] =	ssyncset.s32 @!p0 $0xFFFFF086;
	s6 =	sadd.s32 @!p0 s3, s7;
	s7 =	simm.s32 @!p0 $0x108  }
0x21: {  	s3 =	sadd.s32 s3, s9;
	s6 =	sadd.s32 @!p0 $0x88, s6;
	s7 =	simm.s32 @p2 $0x1082  }
0x22: {  	[simem:s7], [sflag:s8] =	dma.local @!p0 [hbm:s6], $0xF7A  }
0x23: {  	s9 =	sor.u32 $0xD0000000, s2;
	s6 =	simm.s32 $0x108;
	_ =	swait.ge @!p0 [sflag:s8], $0x0  }
0x24: {  	s3 =	sadd.s32 $0x88, s3;
	s6 =	simm.s32 @!p1 $0x1082;
	[sflag:s4] =	ssyncset.s32 $0xFFFFF086  }
0x25: {  	[simem:s6], [sflag:s4] =	dma.local [hbm:s3], $0xF7A  }
0x26: {  	[smem:$0x3F91] =	sst s1;
	(tag) =	ssettag s2;
	_ =	strace s9  }
0x27: {  	s1 =	sld [smem:$0x3FA1]  }
0x28: {  	s2 =	sld [smem:$0x3FA2]  }
0x29: {  	s4 =	sld [smem:$0x3FA4]  }
0x2a: {  	p0 =	seq.s32 s5, $0x0;
	s5 =	sld [smem:$0x3FA5]  }
0x2b: {  	s6 =	sld [smem:$0x3FA6]  }
0x2c: {  	s7 =	sld [smem:$0x3FA7]  }
0x2d: {  	s3 =	simm.s32 $0x108;
	s8 =	sld [smem:$0x3FA8]  }
0x2e: {  	s3 =	simm.s32 @!p0 $0x1082;
	s9 =	sld [smem:$0x3FA9]  }
0x2f: {  	lr =	sadd.s32 s0, s3;
	s0 =	sld [smem:$0x3FA0]  }
0x30: {  	s3 =	sld [smem:$0x3FA3]  }
0x31: {  	[smem:$0x3FAC] =	sst s10  }
0x32: {  	s10 =	sld [smem:$0x3FAA];
	_ =	sdelay $0x3  }
0x33: {  	p0 =	seq.s32 s10, $0x1;
	s10 =	sld [smem:$0x3FAC];
	_ =	sdelay $0x3  }
0x34: {  	[smem:$0x3FAC] =	sst s10  }
0x35: {  	s10 =	sld [smem:$0x3FAB];
	_ =	sdelay $0x3  }
0x36: {  	p1 =	seq.s32 s10, $0x1;
	s10 =	sld [smem:$0x3FAC];
	_ =	sdelay $0x3  }
0x37: {  	[smem:$0x3FAC] =	sst s10  }
0x38: {  	s10 =	sld [smem:$0x3FAD]  }
0x39: {  	_ = 	snop;
	(pc) =	sbr.ind lr, $3  }
0x3a: {  	_ = 	snop  }
0x3b: {  	_ = 	snop  }
0x3c: {  	p2 =	seq.s32 s10, $0x1;
	s10 =	sld [smem:$0x3FAC]  }
0x3d: {  	_ =	shalt  }
0x3e: {  	_ =	shalt  }
0x3f: {  	_ =	shalt  }
0x40: {  	_ =	shalt  }
0x41: {  	_ =	shalt  }
0x42: {  	_ =	shalt  }
0x43: {  	_ =	shalt  }
0x44: {  	_ =	shalt  }
0x45: {  	_ =	shalt  }
0x46: {  	_ =	shalt  }
0x47: {  	_ =	shalt  }
0x48: {  	_ =	shalt  }
0x49: {  	_ =	shalt  }
0x4a: {  	_ =	shalt  }
0x4b: {  	_ =	shalt  }
0x4c: {  	_ =	shalt  }
0x4d: {  	_ =	shalt  }
0x4e: {  	_ =	shalt  }
0x4f: {  	_ =	shalt  }
0x50: {  	_ =	shalt  }
0x51: {  	_ =	shalt  }
0x52: {  	_ =	shalt  }
0x53: {  	_ =	shalt  }
0x54: {  	_ =	shalt  }
0x55: {  	_ =	shalt  }
0x56: {  	_ =	shalt  }
0x57: {  	_ =	shalt  }
0x58: {  	_ =	shalt  }
0x59: {  	_ =	shalt  }
0x5a: {  	_ =	shalt  }
0x5b: {  	_ =	shalt  }
0x5c: {  	_ =	shalt  }
0x5d: {  	_ =	shalt  }
0x5e: {  	_ =	shalt  }
0x5f: {  	_ =	shalt  }
0x60: {  	_ =	shalt  }
0x61: {  	_ =	shalt  }
0x62: {  	_ =	shalt  }
0x63: {  	_ =	shalt  }
0x64: {  	_ =	shalt  }
0x65: {  	_ =	shalt  }
0x66: {  	_ =	shalt  }
0x67: {  	_ =	shalt  }
0x68: {  	_ =	shalt  }
0x69: {  	_ =	shalt  }
0x6a: {  	_ =	shalt  }
0x6b: {  	_ =	shalt  }
0x6c: {  	_ =	shalt  }
0x6d: {  	_ =	shalt  }
0x6e: {  	_ =	shalt  }
0x6f: {  	_ =	shalt  }
0x70: {  	_ =	shalt  }
0x71: {  	_ =	shalt  }
0x72: {  	_ =	shalt  }
0x73: {  	_ =	shalt  }
0x74: {  	_ =	shalt  }
0x75: {  	_ =	shalt  }
0x76: {  	_ =	shalt  }
0x77: {  	_ =	shalt  }
0x78: {  	_ =	shalt  }
0x79: {  	_ =	shalt  }
0x7a: {  	_ =	shalt  }
0x7b: {  	_ =	shalt  }
0x7c: {  	_ =	shalt  }
0x7d: {  	_ =	shalt  }
0x7e: {  	_ =	shalt  }
0x7f: {  	_ =	shalt  }
0x80: {  	_ =	shalt  }
0x81: {  	_ =	shalt  }
0x82: {  	_ =	shalt  }
0x83: {  	_ =	shalt  }
0x84: {  	_ =	shalt  }
0x85: {  	_ =	shalt  }
0x86: {  	_ =	shalt  }
0x87: {  	_ =	shalt  }
.Lfunc_end0:
.L_simem_size_0:
called_computation_lowered:
.L_overlay_start_0:
0x88: {  	s2 =	sld [smem:$0x3FD9]  }
0x89: {  	s3 =	sld [smem:$0x3FFE];
	_ =	sdelay $0x1  }
0x8a: {  	s1 =	srdreg.scid  }
0x8b: {  	s0 =	sand.u32 $0x1, s1  }
0x8c: {  	s17 =	sshll.u32 s0, $0xA;
	s2 =	sadd.s32 s3, s2  }
0x8d: {  	s2 =	sadd.s32 s2, s17  }
0x8e: {  	[smem:$0x3FB8] =	sst s2  }
0x8f: {  	_ = 	snop  }
0x90: {  	s2 =	sld [smem:$0x3FC7]  }
0x91: {  	s18 =	sld [smem:$0x3FC6]  }
0x92: {  	s4 =	sld [smem:$0x3FC5]  }
0x93: {  	s5 =	sld [smem:$0x3FC4]  }
0x94: {  	s6 =	sld [smem:$0x3FC3]  }
0x95: {  	s7 =	sld [smem:$0x3FC2]  }
0x96: {  	s8 =	sld [smem:$0x3FD0];
	(tm) =	ssettm $0x1  }
0x97: {  	s9 =	sld [smem:$0x3FFB];
	_ =	sdelay $0x3  }
0x98: {  	_ =	strace s9  }
0x99: {  	s9 =	sld [smem:$0x3FFC];
	_ =	sdelay $0x3  }
0x9a: {  	_ =	strace s9  }
0x9b: {  	s9 =	sld [smem:$0x3FFD];
	_ =	sdelay $0x3  }
0x9c: {  	_ =	strace s9  }
0x9d: {  	_ =	strace $0x8FFFFFFF  }
0x9e: {  	s19 =	sld [smem:$0x3FDB];
	_ =	sdelay $0x1  }
0x9f: {  	s10 =	simm.s32 $_scs_section_size  }
0xa0: {  	s11 =	simm.s32 $_size__tile_overlayer_lowered;
	s12 =	simm.s32 $_tile_overlayer_lowered  }
0xa1: {  	s22 =	simm.s32 $0x1BFF;
	s21 =	sshll.u32 s12, $0x1;
	s9 =	sadd.s32 s10, s19  }
0xa2: {  	s13 =	simm.s32 $0x0;
	s20 =	sshll.u32 s11, $0x1;
	s11 =	sadd.s32 s21, s9  }
0xa3: {  	[timem:s13], [sflag:s22] =	dma.local [hbm:s11], s20  }
0xa4: {  	_ =	swait.ge [sflag:s22], s20  }
0xa5: {  	s10 =	ssub.s32 $0x0, s20;
	[sflag:s22] =	ssyncset.done $0x0  }
0xa6: {  	[sflag:s22] =	ssyncadd.s32 s10;
	_ =	sdelay $0x1  }
0xa7: {  	s23 =	simm.s32 $0x1B8B  }
0xa8: {  	_ =	swait.ge [sflag:s23], $0x1  }
0xa9: {  	[sflag:s23] =	ssyncset.done $0x0  }
0xaa: {  	s25 =	simm.s32 $0x1B8E;
	s24 =	sld [smem:$0x3FFE];
	[sflag:s23] =	ssyncadd.s32 $0xFFFFFFFF  }
0xab: {  	s26 =	simm.s32 $execute0_lowered;
	[smem:$0x3FD2] =	sst s25  }
0xac: {  	s11 =	sshll.u32 s26, $0x1;
	_ =	strace $0x80000046;
	[dreg:$0x1] =	wrdreg $0xFFFFFFFF  }
0xad: {  	s28 =	simm.s32 $_size_execute0_lowered;
	s9 =	sadd.s32 s9, s11;
	[dreg:$0x0] =	wrdreg $0x0  }
0xae: {  	s11 =	sshll.u32 s28, $0x1;
	[dreg:$0x2] =	wrdreg s9  }
0xaf: {  	[dreg:$0x3] =	wrdreg s11  }
0xb0: {  	[dreg:$0x4] =	wrdreg $0xC0  }
0xb1: {  	_ =	task [dreg:s13], $0x5FFFF  }
0xb2: {  	[dreg:$0x1] =	wrdreg $0xFFFFFFFF  }
0xb3: {  	[dreg:$0x0] =	wrdreg $0x60  }
0xb4: {  	[dreg:$0x2] =	wrdreg s24  }
0xb5: {  	[dreg:$0x3] =	wrdreg s8  }
0xb6: {  	[dreg:$0x4] =	wrdreg s2  }
0xb7: {  	[dreg:$0x5] =	wrdreg s18  }
0xb8: {  	[dreg:$0x6] =	wrdreg s4  }
0xb9: {  	[dreg:$0x7] =	wrdreg s5  }
0xba: {  	[dreg:$0x8] =	wrdreg s6  }
0xbb: {  	[dreg:$0x9] =	wrdreg s7  }
0xbc: {  	[dreg:$0xa] =	wrdreg $0x9  }
0xbd: {  	_ =	task.clear_ibuf [dreg:s13], $0xBFFFF;
	_ =	strace $0x90000046  }
0xbe: {  	s29 =	simm.s32 $0x9;
	_ =	strace $0x80000048  }
0xbf: {  	_ =	swait.ge [sflag:s29], $0x1  }
0xc0: {  	[sflag:s29] =	ssyncadd.s32 $0xFFFFFFFF  }
0xc1: {  	_ =	strace $0x90000048  }
0xc2: {  	_ =	sfence  }
0xc3: {  	s30 =	sld [smem:$0x0];
	_ =	sdelay $0x2  }
0xc4: {  	s31 =	sshll.u32 s1, $0xD;
	s1 =	sshrl.u32 s1, $0x2  }
0xc5: {  	s3 =	sand.u32 $0x4000, s31;
	s1 =	sadd.s32 s1, s30  }
0xc6: {  	s0 =	sor.u32 s3, s0;
	s1 =	sshll.u32 s1, $0x11  }
0xc7: {  	s0 =	sor.u32 s1, s0  }
0xc8: {  	s0 =	sadd.s32 $0x8F2B, s0  }
0xc9: {  	[sflag:s0] =	ssyncadd.remote.s32 $0x1  }
0xca: {  	_ =	sfence.sel $0xFFFF  }
0xcb: {  	[dreg:$0x0] =	wrdreg $0xFFFFFFFF;
	(pc) =	sbr.abs _section_cstart, $3  }
0xcc: {  	[dreg:$0x1] =	wrdreg $0xFFFFFFFF  }
0xcd: {  	_ =	task.clear_ibuf [dreg:s13], $0x2FFFF;
	_ =	strace $0x9FFFFFFF  }
0xce: {  	(tm) =	ssettm $0x7FFFFFFF  }
0xcf: {  	_ =	shalt  }
tec
execute0_lowered:
.L_overlay_start_1:
0x0: {  	(tag) =	ssettag $0x1  }
0x1: {  	s7 =	rddreg [dreg:$0x0]  }
0x2: {  	s20 =	rddreg [dreg:$0x1]  }
0x3: {  	s8 =	rddreg [dreg:$0x2]  }
0x4: {  	s10 =	rddreg [dreg:$0x3]  }
0x5: {  	s11 =	rddreg [dreg:$0x4]  }
0x6: {  	s13 =	rddreg [dreg:$0x5]  }
0x7: {  	s16 =	rddreg [dreg:$0x6]  }
0x8: {  	s17 =	rddreg [dreg:$0x7]  }
0x9: {  	s0 =	rddreg [dreg:$0x8];
	s1 =	simm.s32 $0x0  }
0xa: {  	s4 =	srdreg.scid;
	[smem:$0x7FF] =	sst s1  }
0xb: {  	s2 =	sadd.s32 $0x2000, s7;
	s3 =	sadd.s32 $0x1800, s7;
	s5 =	sadd.s32 $0x3800, s7  }
0xc: {  	s6 =	sadd.s32 $0x3000, s7;
	s9 =	sand.u32 $0x1, s4;
	s21 =	sadd.s32 $0x2800, s7  }
0xd: {  	s4 =	stileid.u32;
	s14 =	sadd.s32 $0x4000, s7;
	_ =	strace $0x80000047  }
0xe: {  	s12 =	ssub.s32 $0x2, s9;
	s15 =	sshll.u32 s4, $0x1;
	s25 =	sshrl.u32 s4, $0x2  }
0xf: {  	s18 =	sshll.u32 s4, $0xF;
	p0 =	sgt.u32 s4, $0x7;
	s23 =	sshrl.u32 s12, $0x1  }
0x10: {  	s24 =	sor.u32 s9, s15;
	s26 =	sadd.s32 $0xFFFFFFF0, s15;
	s28 =	smul.u32 $0xC3800, s25  }
0x11: {  	s9 =	sshll.u32 s25, $0x11;
	s3 =	smov.u32 @p0 s20;
	s6 =	smov.u32 @p0 s21  }
0x12: {  	s20 =	simm.s32 $0x80;
	s21 =	simm.s32 $0x400;
	s25 =	simm.s32 $0x1C700  }
0x13: {  	s19 =	ssub.s32 s12, s23;
	s7 =	sshll.u32 s24, $0x7;
	s12 =	sshrl.u32 s26, $0x3  }
0x14: {  	s26 =	simm.s32 $0x0;
	s22 =	sand.u32 $0x380, s7;
	s12 =	smul.u32 $0xC3800, s12  }
0x15: {  	s29 =	sor.u32 s18, s7;
	s15 =	sor.u32 s28, s22;
	s9 =	sor.u32 s9, s22  }
0x16: {  	s19 =	smax.u32 s19, $0x1;
	s23 =	sshrl.u32 s15, $0x3;
	s9 =	sshrl.u32 s9, $0x3  }
0x17: {  	s12 =	sor.u32 s22, s12;
	s15 =	sand.u32 $0x60380, s29;
	s7 =	sadd.s32 s8, s23  }
0x18: {  	s8 =	sadd.s32 s14, s9;
	s30 =	sshrl.u32 s12, $0x3;
	s31 =	sshrl.u32 s15, $0x3  }
0x19: {  	s10 =	sadd.s32 s10, s23;
	s13 =	sadd.s32 s13, s23;
	s16 =	sadd.s32 s16, s23  }
0x1a: {  	s9 =	sadd.s32 $0x2000, s8;
	s22 =	sadd.s32 s11, s30;
	s24 =	sadd.s32 s31, s14  }
0x1b: {  	s23 =	sadd.s32 s17, s30;
	s11 =	sadd.s32 $0x10000, s24;
	s12 =	sadd.s32 $0x12000, s24  }
0x1c: {  	s14 =	sadd.s32 $0x20000, s24;
	s15 =	sadd.s32 $0x22000, s24;
	s17 =	sadd.s32 $0x30000, s24  }
0x1d: {  	s18 =	sadd.s32 $0x32000, s24;
	s10 =	smov.u32 @p0 s22;
	s16 =	smov.u32 @p0 s23  }
0x1e: {  	s22 =	simm.s32 $0x18700;
	s23 =	simm.s32 $0x1;
	s24 =	simm.s32 $0x2  }
.LBB2_1:
0x1f: {  	[tilespmem:s1], [sflag:$0x1] =	stream.strided.gather [hbm4b:s7+s20], $0x18700, s21, s20, $0x38;
	[tilespmem:$0x1E700] =	vst v63  }
0x20: {  	_ = 	snop  }
0x21: {  	[tilespmem:s22], [sflag:$0x1] =	stream.linear.gather [hbm4b:s2+s1], $0x4000, $0x38;
	[tilespmem:$0x1E700] =	vst v63  }
0x22: {  	_ =	swait.ge [sflag:s23], $0x18700  }
0x23: {  	[sflag:s23] =	ssyncset.done $0x0  }
0x24: {  	[sflag:s23] =	ssyncadd.s32 $0xFFFE7900  }
0x25: {  	_ =	swait.ge [sflag:s23], $0x4000  }
0x26: {  	[sflag:s23] =	ssyncset.done $0x0  }
0x27: {  	s28 =	simm.s32 $0x0;
	[sflag:s23] =	ssyncadd.s32 $0xFFFFC000  }
0x28: {  	v0 =	vld [tilespmem:s28+$0x18700];
	_ =	sdelay $0x7  }
0x29: {  	s29 =	simm.s32 $0x10;
	s30 =	simm.s32 $0x80;
	v0 =	vld.idx.msk [tilespmem:v0+s1+$0x0], $0xffff  }
.LBB2_2:
0x2a: {  	p0 =	sne.s32 s30, $0x7FC0;
	v1 =	vld [tilespmem:s29+$0x18700];
	_ =	sdelay $0x3  }
.Ltmp0:
0x2b: {  	(pc) =	sbr.rel @p0 .LBB2_2-.Ltmp0, $2  }
0x2c: {  	[tilespmem:s28+$0x1C700] =	vst v0;
	s28 =	smov.u32 s29;
	_ =	sdelay $0x2  }
0x2d: {  	s29 =	sshra.s32 s30, $0x2;
	s30 =	sadd.s32 $0x40, s30;
	v0 =	vld.idx.msk [tilespmem:v1+s1+$0x0], $0xffff  }
0x2e: {  	v1 =	vld [tilespmem:s29+$0x18700];
	_ =	sdelay $0x6  }
0x2f: {  	[tilespmem:s28+$0x1C700] =	vst v0  }
0x30: {  	v0 =	vld.idx.msk [tilespmem:v1+s1+$0x0], $0xffff;
	_ =	sdelay $0x4  }
0x31: {  	s28 =	simm.s32 $0x1C700;
	[tilespmem:s29+$0x1C700] =	vst v0  }
0x32: {  	[hbm4b:s8+s20] =	stream.strided.scatter [tilespmem:s28], [sflag:$0x2], $0x2000, s21, s20, $0x38;
	[tilespmem:$0x1E700] =	vst v63  }
0x33: {  	_ =	swait.ge [sflag:s24], $0x2000  }
0x34: {  	s29 =	simm.s32 $0x0;
	[sflag:s24] =	ssyncset.done $0x0  }
0x35: {  	s29 =	sand.u32 $0x1FF0, s29;
	[sflag:s24] =	ssyncadd.s32 $0xFFFFE000  }
0x36: {  	v63 =	vld [tilespmem:s29+$0x1A700];
	_ =	sdelay $0x7  }
0x37: {  	v0 =	vld.idx.msk [tilespmem:v63+s1+$0x0], $0xffff;
	_ =	sdelay $0x3  }
0x38: {  	s29 =	simm.s32 $0x10  }
0x39: {  	s30 =	sand.u32 $0x1FF0, s29;
	s29 =	simm.s32 $0x20;
	[tilespmem:s28+$0x0] =	vst v0  }
.LBB2_4:
0x3a: {  	p0 =	sne.s32 s29, $0x1FF0;
	v0 =	vld [tilespmem:s30+$0x1A700];
	_ =	sdelay $0x7  }
0x3b: {  	v0 =	vld.idx.msk [tilespmem:v0+s1+$0x0], $0xffff;
	_ =	sdelay $0x1  }
.Ltmp1:
0x3c: {  	(pc) =	sbr.rel @p0 .LBB2_4-.Ltmp1, $3  }
0x3d: {  	_ =	sdelay $0x1  }
0x3e: {  	s28 =	sadd.s32 $0x10, s28  }
0x3f: {  	s30 =	sand.u32 $0x1FF0, s29;
	s29 =	sadd.s32 $0x10, s29;
	[tilespmem:s28+$0x0] =	vst v0  }
0x40: {  	v0 =	vld [tilespmem:s30+$0x1A700];
	_ =	sdelay $0x7  }
0x41: {  	v0 =	vld.idx.msk [tilespmem:v0+s1+$0x0], $0xffff;
	_ =	sdelay $0x3  }
0x42: {  	s28 =	sadd.s32 $0x10, s28  }
0x43: {  	[tilespmem:s28+$0x0] =	vst v0  }
0x44: {  	[hbm4b:s9+s20] =	stream.strided.scatter [tilespmem:s25], [sflag:$0x2], $0x2000, s21, s20, $0x38;
	[tilespmem:$0x1E700] =	vst v63  }
0x45: {  	_ =	swait.ge [sflag:s24], $0x2000  }
0x46: {  	[sflag:s24] =	ssyncset.done $0x0  }
0x47: {  	s28 =	simm.s32 $0x0;
	[sflag:s24] =	ssyncadd.s32 $0xFFFFE000  }
0x48: {  	[tilespmem:s28], [sflag:$0x1] =	stream.strided.gather [hbm4b:s10+s20], $0x18700, s21, s20, $0x38;
	[tilespmem:$0x1E700] =	vst v63  }
0x49: {  	_ = 	snop  }
0x4a: {  	[tilespmem:s22], [sflag:$0x1] =	stream.linear.gather [hbm4b:s3+s28], $0x4000, $0x38;
	[tilespmem:$0x1E700] =	vst v63  }
0x4b: {  	_ =	swait.ge [sflag:s23], $0x18700  }
0x4c: {  	[sflag:s23] =	ssyncset.done $0x0  }
0x4d: {  	[sflag:s23] =	ssyncadd.s32 $0xFFFE7900  }
0x4e: {  	_ =	swait.ge [sflag:s23], $0x4000  }
0x4f: {  	[sflag:s23] =	ssyncset.done $0x0  }
0x50: {  	s28 =	simm.s32 $0x0;
	[sflag:s23] =	ssyncadd.s32 $0xFFFFC000  }
0x51: {  	v0 =	vld [tilespmem:s28+$0x18700];
	_ =	sdelay $0x7  }
0x52: {  	s29 =	simm.s32 $0x10;
	s30 =	simm.s32 $0x80;
	v0 =	vld.idx.msk [tilespmem:v0+s1+$0x0], $0xffff  }
.LBB2_6:
0x53: {  	p0 =	sne.s32 s30, $0x7FC0;
	v1 =	vld [tilespmem:s29+$0x18700];
	_ =	sdelay $0x3  }
.Ltmp2:
0x54: {  	(pc) =	sbr.rel @p0 .LBB2_6-.Ltmp2, $2  }
0x55: {  	[tilespmem:s28+$0x1C700] =	vst v0;
	s28 =	smov.u32 s29;
	_ =	sdelay $0x2  }
0x56: {  	s29 =	sshra.s32 s30, $0x2;
	s30 =	sadd.s32 $0x40, s30;
	v0 =	vld.idx.msk [tilespmem:v1+s1+$0x0], $0xffff  }
0x57: {  	v1 =	vld [tilespmem:s29+$0x18700];
	_ =	sdelay $0x6  }
0x58: {  	[tilespmem:s28+$0x1C700] =	vst v0  }
0x59: {  	v0 =	vld.idx.msk [tilespmem:v1+s1+$0x0], $0xffff;
	_ =	sdelay $0x4  }
0x5a: {  	s28 =	simm.s32 $0x1C700;
	[tilespmem:s29+$0x1C700] =	vst v0  }
0x5b: {  	[hbm4b:s11+s20] =	stream.strided.scatter [tilespmem:s28], [sflag:$0x2], $0x2000, s21, s20, $0x38;
	[tilespmem:$0x1E700] =	vst v63  }
0x5c: {  	_ =	swait.ge [sflag:s24], $0x2000  }
0x5d: {  	s29 =	simm.s32 $0x0;
	[sflag:s24] =	ssyncset.done $0x0  }
0x5e: {  	s29 =	sand.u32 $0x1FF0, s29;
	[sflag:s24] =	ssyncadd.s32 $0xFFFFE000  }
0x5f: {  	v63 =	vld [tilespmem:s29+$0x1A700];
	_ =	sdelay $0x7  }
0x60: {  	v0 =	vld.idx.msk [tilespmem:v63+s1+$0x0], $0xffff;
	_ =	sdelay $0x3  }
0x61: {  	s29 =	simm.s32 $0x10  }
0x62: {  	s30 =	sand.u32 $0x1FF0, s29;
	s29 =	simm.s32 $0x20;
	[tilespmem:s28+$0x0] =	vst v0  }
.LBB2_8:
0x63: {  	p0 =	sne.s32 s29, $0x1FF0;
	v0 =	vld [tilespmem:s30+$0x1A700];
	_ =	sdelay $0x7  }
0x64: {  	v0 =	vld.idx.msk [tilespmem:v0+s1+$0x0], $0xffff;
	_ =	sdelay $0x1  }
.Ltmp3:
0x65: {  	(pc) =	sbr.rel @p0 .LBB2_8-.Ltmp3, $3  }
0x66: {  	_ =	sdelay $0x1  }
0x67: {  	s28 =	sadd.s32 $0x10, s28  }
0x68: {  	s30 =	sand.u32 $0x1FF0, s29;
	s29 =	sadd.s32 $0x10, s29;
	[tilespmem:s28+$0x0] =	vst v0  }
0x69: {  	v0 =	vld [tilespmem:s30+$0x1A700];
	_ =	sdelay $0x7  }
0x6a: {  	v0 =	vld.idx.msk [tilespmem:v0+s1+$0x0], $0xffff;
	_ =	sdelay $0x3  }
0x6b: {  	s28 =	sadd.s32 $0x10, s28  }
0x6c: {  	[tilespmem:s28+$0x0] =	vst v0  }
0x6d: {  	[hbm4b:s12+s20] =	stream.strided.scatter [tilespmem:s25], [sflag:$0x2], $0x2000, s21, s20, $0x38;
	[tilespmem:$0x1E700] =	vst v63  }
0x6e: {  	_ =	swait.ge [sflag:s24], $0x2000  }
0x6f: {  	[sflag:s24] =	ssyncset.done $0x0  }
0x70: {  	s28 =	simm.s32 $0x0;
	[sflag:s24] =	ssyncadd.s32 $0xFFFFE000  }
0x71: {  	[tilespmem:s28], [sflag:$0x1] =	stream.strided.gather [hbm4b:s13+s20], $0x18700, s21, s20, $0x38;
	[tilespmem:$0x1E700] =	vst v63  }
0x72: {  	_ = 	snop  }
0x73: {  	[tilespmem:s22], [sflag:$0x1] =	stream.linear.gather [hbm4b:s5+s28], $0x4000, $0x38;
	[tilespmem:$0x1E700] =	vst v63  }
0x74: {  	_ =	swait.ge [sflag:s23], $0x18700  }
0x75: {  	[sflag:s23] =	ssyncset.done $0x0  }
0x76: {  	[sflag:s23] =	ssyncadd.s32 $0xFFFE7900  }
0x77: {  	_ =	swait.ge [sflag:s23], $0x4000  }
0x78: {  	[sflag:s23] =	ssyncset.done $0x0  }
0x79: {  	s28 =	simm.s32 $0x0;
	[sflag:s23] =	ssyncadd.s32 $0xFFFFC000  }
0x7a: {  	v0 =	vld [tilespmem:s28+$0x18700];
	_ =	sdelay $0x7  }
0x7b: {  	s29 =	simm.s32 $0x10;
	s30 =	simm.s32 $0x80;
	v0 =	vld.idx.msk [tilespmem:v0+s1+$0x0], $0xffff  }
.LBB2_10:
0x7c: {  	p0 =	sne.s32 s30, $0x7FC0;
	v1 =	vld [tilespmem:s29+$0x18700];
	_ =	sdelay $0x3  }
.Ltmp4:
0x7d: {  	(pc) =	sbr.rel @p0 .LBB2_10-.Ltmp4, $2  }
0x7e: {  	[tilespmem:s28+$0x1C700] =	vst v0;
	s28 =	smov.u32 s29;
	_ =	sdelay $0x2  }
0x7f: {  	s29 =	sshra.s32 s30, $0x2;
	s30 =	sadd.s32 $0x40, s30;
	v0 =	vld.idx.msk [tilespmem:v1+s1+$0x0], $0xffff  }
0x80: {  	v1 =	vld [tilespmem:s29+$0x18700];
	_ =	sdelay $0x6  }
0x81: {  	[tilespmem:s28+$0x1C700] =	vst v0  }
0x82: {  	v0 =	vld.idx.msk [tilespmem:v1+s1+$0x0], $0xffff;
	_ =	sdelay $0x4  }
0x83: {  	s28 =	simm.s32 $0x1C700;
	[tilespmem:s29+$0x1C700] =	vst v0  }
0x84: {  	[hbm4b:s14+s20] =	stream.strided.scatter [tilespmem:s28], [sflag:$0x2], $0x2000, s21, s20, $0x38;
	[tilespmem:$0x1E700] =	vst v63  }
0x85: {  	_ =	swait.ge [sflag:s24], $0x2000  }
0x86: {  	s29 =	simm.s32 $0x0;
	[sflag:s24] =	ssyncset.done $0x0  }
0x87: {  	s29 =	sand.u32 $0x1FF0, s29;
	[sflag:s24] =	ssyncadd.s32 $0xFFFFE000  }
0x88: {  	v63 =	vld [tilespmem:s29+$0x1A700];
	_ =	sdelay $0x7  }
0x89: {  	v0 =	vld.idx.msk [tilespmem:v63+s1+$0x0], $0xffff;
	_ =	sdelay $0x3  }
0x8a: {  	s29 =	simm.s32 $0x10  }
0x8b: {  	s30 =	sand.u32 $0x1FF0, s29;
	s29 =	simm.s32 $0x20;
	[tilespmem:s28+$0x0] =	vst v0  }
.LBB2_12:
0x8c: {  	p0 =	sne.s32 s29, $0x1FF0;
	v0 =	vld [tilespmem:s30+$0x1A700];
	_ =	sdelay $0x7  }
0x8d: {  	v0 =	vld.idx.msk [tilespmem:v0+s1+$0x0], $0xffff;
	_ =	sdelay $0x1  }
.Ltmp5:
0x8e: {  	(pc) =	sbr.rel @p0 .LBB2_12-.Ltmp5, $3  }
0x8f: {  	_ =	sdelay $0x1  }
0x90: {  	s28 =	sadd.s32 $0x10, s28  }
0x91: {  	s30 =	sand.u32 $0x1FF0, s29;
	s29 =	sadd.s32 $0x10, s29;
	[tilespmem:s28+$0x0] =	vst v0  }
0x92: {  	v0 =	vld [tilespmem:s30+$0x1A700];
	_ =	sdelay $0x7  }
0x93: {  	v0 =	vld.idx.msk [tilespmem:v0+s1+$0x0], $0xffff;
	_ =	sdelay $0x3  }
0x94: {  	s28 =	sadd.s32 $0x10, s28  }
0x95: {  	[tilespmem:s28+$0x0] =	vst v0  }
0x96: {  	[hbm4b:s15+s20] =	stream.strided.scatter [tilespmem:s25], [sflag:$0x2], $0x2000, s21, s20, $0x38;
	[tilespmem:$0x1E700] =	vst v63  }
0x97: {  	_ =	swait.ge [sflag:s24], $0x2000  }
0x98: {  	[sflag:s24] =	ssyncset.done $0x0  }
0x99: {  	s28 =	simm.s32 $0x0;
	[sflag:s24] =	ssyncadd.s32 $0xFFFFE000  }
0x9a: {  	[tilespmem:s28], [sflag:$0x1] =	stream.strided.gather [hbm4b:s16+s20], $0x18700, s21, s20, $0x38;
	[tilespmem:$0x1E700] =	vst v63  }
0x9b: {  	_ = 	snop  }
0x9c: {  	[tilespmem:s22], [sflag:$0x1] =	stream.linear.gather [hbm4b:s6+s28], $0x4000, $0x38;
	[tilespmem:$0x1E700] =	vst v63  }
0x9d: {  	_ =	swait.ge [sflag:s23], $0x18700  }
0x9e: {  	[sflag:s23] =	ssyncset.done $0x0  }
0x9f: {  	[sflag:s23] =	ssyncadd.s32 $0xFFFE7900  }
0xa0: {  	_ =	swait.ge [sflag:s23], $0x4000  }
0xa1: {  	[sflag:s23] =	ssyncset.done $0x0  }
0xa2: {  	s28 =	simm.s32 $0x0;
	[sflag:s23] =	ssyncadd.s32 $0xFFFFC000  }
0xa3: {  	v0 =	vld [tilespmem:s28+$0x18700];
	_ =	sdelay $0x7  }
0xa4: {  	s29 =	simm.s32 $0x10;
	s30 =	simm.s32 $0x80;
	v0 =	vld.idx.msk [tilespmem:v0+s1+$0x0], $0xffff  }
.LBB2_14:
0xa5: {  	p0 =	sne.s32 s30, $0x7FC0;
	v1 =	vld [tilespmem:s29+$0x18700];
	_ =	sdelay $0x3  }
.Ltmp6:
0xa6: {  	(pc) =	sbr.rel @p0 .LBB2_14-.Ltmp6, $2  }
0xa7: {  	[tilespmem:s28+$0x1C700] =	vst v0;
	s28 =	smov.u32 s29;
	_ =	sdelay $0x2  }
0xa8: {  	s29 =	sshra.s32 s30, $0x2;
	s30 =	sadd.s32 $0x40, s30;
	v0 =	vld.idx.msk [tilespmem:v1+s1+$0x0], $0xffff  }
0xa9: {  	v1 =	vld [tilespmem:s29+$0x18700];
	_ =	sdelay $0x6  }
0xaa: {  	[tilespmem:s28+$0x1C700] =	vst v0  }
0xab: {  	v0 =	vld.idx.msk [tilespmem:v1+s1+$0x0], $0xffff;
	_ =	sdelay $0x4  }
0xac: {  	s28 =	simm.s32 $0x1C700;
	[tilespmem:s29+$0x1C700] =	vst v0  }
0xad: {  	[hbm4b:s17+s20] =	stream.strided.scatter [tilespmem:s28], [sflag:$0x2], $0x2000, s21, s20, $0x38;
	[tilespmem:$0x1E700] =	vst v63  }
0xae: {  	_ =	swait.ge [sflag:s24], $0x2000  }
0xaf: {  	s29 =	simm.s32 $0x0;
	[sflag:s24] =	ssyncset.done $0x0  }
0xb0: {  	s29 =	sand.u32 $0x1FF0, s29;
	[sflag:s24] =	ssyncadd.s32 $0xFFFFE000  }
0xb1: {  	v63 =	vld [tilespmem:s29+$0x1A700];
	_ =	sdelay $0x7  }
0xb2: {  	v0 =	vld.idx.msk [tilespmem:v63+s1+$0x0], $0xffff;
	_ =	sdelay $0x3  }
0xb3: {  	s29 =	simm.s32 $0x10  }
0xb4: {  	s30 =	sand.u32 $0x1FF0, s29;
	s29 =	simm.s32 $0x20;
	[tilespmem:s28+$0x0] =	vst v0  }
.LBB2_16:
0xb5: {  	p0 =	sne.s32 s29, $0x1FF0;
	v0 =	vld [tilespmem:s30+$0x1A700];
	_ =	sdelay $0x7  }
0xb6: {  	v0 =	vld.idx.msk [tilespmem:v0+s1+$0x0], $0xffff;
	_ =	sdelay $0x1  }
.Ltmp7:
0xb7: {  	(pc) =	sbr.rel @p0 .LBB2_16-.Ltmp7, $3  }
0xb8: {  	_ =	sdelay $0x1  }
0xb9: {  	s28 =	sadd.s32 $0x10, s28  }
0xba: {  	s30 =	sand.u32 $0x1FF0, s29;
	s29 =	sadd.s32 $0x10, s29;
	[tilespmem:s28+$0x0] =	vst v0  }
0xbb: {  	v0 =	vld [tilespmem:s30+$0x1A700];
	_ =	sdelay $0x7  }
0xbc: {  	v0 =	vld.idx.msk [tilespmem:v0+s1+$0x0], $0xffff;
	_ =	sdelay $0x2  }
0xbd: {  	s26 =	sadd.s32 $0x1, s26  }
0xbe: {  	s28 =	sadd.s32 $0x10, s28;
	p0 =	sne.s32 s26, s19  }
.Ltmp8:
0xbf: {  	[tilespmem:s28+$0x0] =	vst v0;
	(pc) =	sbr.rel @p0 .LBB2_1-.Ltmp8, $4  }
0xc0: {  	[hbm4b:s18+s20] =	stream.strided.scatter [tilespmem:s25], [sflag:$0x2], $0x2000, s21, s20, $0x38;
	[tilespmem:$0x1E700] =	vst v63  }
0xc1: {  	_ =	swait.ge [sflag:s24], $0x2000  }
0xc2: {  	[sflag:s24] =	ssyncset.done $0x0  }
0xc3: {  	[sflag:s24] =	ssyncadd.s32 $0xFFFFE000  }
0xc4: {  	_ =	sfence.sel $0x180000  }
0xc5: {  	[bflag:$0x0] =	sbarrier.arrive $0xFFFF  }
0xc6: {  	p0 =	sne.s32 s4, $0x0;
	_ =	strace $0x90000047  }
0xc7: {  	s0 =	sadd.s32 @!p0 $0x100000, s0;
	[bflag:$0x2] =	sbarrier.arrive $0xFFFF  }
0xc8: {  	[sflag:s0] =	ssyncadd.tile.s32 @!p0 $0x1;
	_ =	shalt  }
.Lfunc_end2:
_tile_overlayer_lowered:
.L_overlay_start_2:
0xc9: {  	(tag) =	ssettag $0x2  }
0xca: {  	s0 =	rddreg [dreg:$0x0];
	s2 =	stileid.u32  }
0xcb: {  	s1 =	rddreg [dreg:$0x1];
	p0 =	sne.s32 s2, $0x0  }
0xcc: {  	s3 =	rddreg [dreg:$0x2];
	[bflag:$0x3] =	sbarrier.arrive $0xFFFF;
	s2 =	simm.s32 @!p0 $0x1C02  }
0xcd: {  	[timem:s3], [sflag:s2] =	dma.local @!p0 [hbm:s0], s1  }
0xce: {  	s0 =	simm.s32 @!p0 $0x2  }
0xcf: {  	_ =	swait.ge @!p0 [sflag:s0], s1  }
0xd0: {  	s1 =	ssub.s32 @!p0 $0x0, s1;
	[sflag:s0] =	ssyncset.done @!p0 $0x0  }
0xd1: {  	[sflag:s0] =	ssyncadd.s32 @!p0 s1  }
0xd2: {  	[bflag:$0x3] =	sbarrier.arrive $0xFFFF  }
0xd3: {  	_ =	shalt  }

</sc_bundles>
